<compile_context>
chip_gen: v7x
topology: tpu7x:2x2x1
jax: 0.10.2.dev20260603
libtpu: 0.0.44.dev20260713+nightly
codegen_flags: <defaults>
</compile_context>

<pallas_src>
import jax
import jax.numpy as jnp
from jax.experimental import pallas as pl
from jax.experimental.pallas import tpu as pltpu

_H = 16
_KV = 4
_EPS = 1e-6


def _bdot(a, b):
    return jax.lax.dot_general(
        a.astype(jnp.bfloat16), b.astype(jnp.bfloat16),
        (((a.ndim - 1,), (0,)), ((), ())),
        preferred_element_type=jnp.float32)


def _qkv_rope_kernel(x_ref, cos_ref, sin_ref, wqkv_ref,
                     q_ref, k_ref, v_ref):
    h = x_ref[...]
    qkv = _bdot(h, wqkv_ref[...])
    bs = h.shape[0]
    hd = cos_ref.shape[-1]
    nh = qkv.shape[-1] // hd
    qkv = qkv.reshape(bs, nh, hd)
    c = cos_ref[...][:, None, :]
    s = sin_ref[...][:, None, :]
    qk = qkv[:, :_H + _KV, :]
    x1 = qk[..., :hd // 2]
    x2 = qk[..., hd // 2:]
    rot = jnp.concatenate([-x2, x1], axis=-1)
    qk = qk * c + rot * s
    q_ref[...] = qk[:, :_H, :].transpose(1, 0, 2).astype(jnp.bfloat16)
    k_ref[...] = qk[:, _H:, :].transpose(1, 0, 2).astype(jnp.bfloat16)
    v_ref[...] = qkv[:, _H + _KV:, :].transpose(1, 0, 2).astype(jnp.bfloat16)


def _attn_kernel(q_ref, k_ref, v_ref, o_ref, *, bq, s_len):
    i = pl.program_id(1)
    q = q_ref[0]
    k = k_ref[0]
    hd = q.shape[-1]
    s = jax.lax.dot_general(q, k, (((1,), (1,)), ((), ())),
                            preferred_element_type=jnp.float32)
    s = s * (1.0 / jnp.sqrt(jnp.float32(hd)))
    rows = i * bq + jax.lax.broadcasted_iota(jnp.int32, (bq, s_len), 0)
    cols = jax.lax.broadcasted_iota(jnp.int32, (bq, s_len), 1)
    s = jnp.where(cols <= rows, s, jnp.finfo(jnp.float32).min)
    m = jnp.max(s, axis=-1, keepdims=True)
    p = jnp.exp(s - m)
    den = jnp.sum(p, axis=-1, keepdims=True)
    o_ref[0] = _bdot(p, v_ref[0]) / den


def _oproj_router_kernel(attn_ref, hid_ref, wo_ref, res_ref):
    res_ref[...] = hid_ref[...] + _bdot(attn_ref[...], wo_ref[...])


def _moe_g_kernel(be_ref, nv_ref, xs_ref, w1_ref, w3_ref, g_ref):
    i = pl.program_id(1)

    @pl.when(i < nv_ref[0])
    def _():
        x = xs_ref[...]
        g = _bdot(x, w1_ref[0])
        u = _bdot(x, w3_ref[0])
        g = g * jax.lax.logistic(g) * u
        g_ref[...] = g.astype(jnp.bfloat16)


def _moe_y_kernel(be_ref, nv_ref, g_ref, w2_ref, y_ref):
    i = pl.program_id(0)

    @pl.when(i < nv_ref[0])
    def _():
        y_ref[...] = _bdot(g_ref[...], w2_ref[0]).astype(jnp.bfloat16)


def kernel(hidden_states, cos, sin, ln1_w, w_qkv, w_o, ln2_w, gate_w,
           w1, w3, w2):
    b, s_len, d = hidden_states.shape
    hd = cos.shape[-1]
    e = gate_w.shape[-1]
    f = w1.shape[-1]
    topk = 2
    rep = _H // _KV

    x = hidden_states.reshape(s_len, d)
    var1 = jnp.mean(x * x, axis=-1, keepdims=True)
    h1 = (x * jax.lax.rsqrt(var1 + _EPS)) * ln1_w

    bs = min(256, s_len)
    nq = s_len // bs

    q, k, v = pl.pallas_call(
        _qkv_rope_kernel,
        grid=(nq,),
        in_specs=[
            pl.BlockSpec((bs, d), lambda i: (i, 0)),
            pl.BlockSpec((bs, hd), lambda i: (i, 0)),
            pl.BlockSpec((bs, hd), lambda i: (i, 0)),
            pl.BlockSpec((d, (_H + 2 * _KV) * hd), lambda i: (0, 0)),
        ],
        out_specs=[
            pl.BlockSpec((_H, bs, hd), lambda i: (0, i, 0)),
            pl.BlockSpec((_KV, bs, hd), lambda i: (0, i, 0)),
            pl.BlockSpec((_KV, bs, hd), lambda i: (0, i, 0)),
        ],
        out_shape=[
            jax.ShapeDtypeStruct((_H, s_len, hd), jnp.bfloat16),
            jax.ShapeDtypeStruct((_KV, s_len, hd), jnp.bfloat16),
            jax.ShapeDtypeStruct((_KV, s_len, hd), jnp.bfloat16),
        ],
    )(h1, cos, sin, w_qkv)

    import functools
    attn = pl.pallas_call(
        functools.partial(_attn_kernel, bq=bs, s_len=s_len),
        grid=(_H, nq),
        in_specs=[
            pl.BlockSpec((1, bs, hd), lambda h, i: (h, i, 0)),
            pl.BlockSpec((1, s_len, hd), lambda h, i: (h // rep, 0, 0)),
            pl.BlockSpec((1, s_len, hd), lambda h, i: (h // rep, 0, 0)),
        ],
        out_specs=pl.BlockSpec((1, bs, hd), lambda h, i: (h, i, 0)),
        out_shape=jax.ShapeDtypeStruct((_H, s_len, hd), jnp.float32),
    )(q, k, v)

    attn_t = attn.transpose(1, 0, 2).reshape(s_len, _H * hd)

    res = pl.pallas_call(
        _oproj_router_kernel,
        grid=(nq,),
        in_specs=[
            pl.BlockSpec((bs, _H * hd), lambda i: (i, 0)),
            pl.BlockSpec((bs, d), lambda i: (i, 0)),
            pl.BlockSpec((_H * hd, d), lambda i: (0, 0)),
        ],
        out_specs=pl.BlockSpec((bs, d), lambda i: (i, 0)),
        out_shape=jax.ShapeDtypeStruct((s_len, d), jnp.float32),
    )(attn_t, x, w_o)

    var2 = jnp.mean(res * res, axis=-1, keepdims=True)
    x2f = (res * jax.lax.rsqrt(var2 + _EPS)) * ln2_w
    logits = x2f @ gate_w
    x2 = x2f.astype(jnp.bfloat16)

    t = s_len
    p_cnt = t * topk
    bm = 256
    padt = p_cnt + e * bm
    nb = padt // bm
    bf = f // 4
    nf = 4

    rprobs = jax.nn.softmax(logits, axis=-1)
    topv, topi = jax.lax.top_k(rprobs, topk)
    gates = topv / jnp.sum(topv, axis=-1, keepdims=True)

    eid = topi.reshape(-1).astype(jnp.int32)
    tok = jnp.arange(p_cnt, dtype=jnp.int32) // topk
    order = jnp.argsort(eid, stable=True)
    seid = eid[order]
    stok = tok[order]

    counts = jnp.sum(jax.nn.one_hot(eid, e, dtype=jnp.int32), axis=0)
    cstart = jnp.concatenate([jnp.zeros(1, jnp.int32),
                              jnp.cumsum(counts)[:-1]])
    nblk = (counts + bm - 1) // bm
    cumblk = jnp.cumsum(nblk)
    bstart = jnp.concatenate([jnp.zeros(1, jnp.int32), cumblk[:-1]])
    nvalid = cumblk[-1:].astype(jnp.int32)
    block_expert = jnp.minimum(
        jnp.searchsorted(cumblk, jnp.arange(nb, dtype=jnp.int32),
                         side='right'),
        e - 1).astype(jnp.int32)

    dest = bstart[seid] * bm + (jnp.arange(p_cnt, dtype=jnp.int32)
                                - cstart[seid])
    rows_tok = jnp.zeros(padt, jnp.int32).at[dest].set(stok)
    pos_of_pair = jnp.zeros(p_cnt, jnp.int32).at[order].set(dest)
    token_pos = pos_of_pair.reshape(t, topk)

    xs = jnp.take(x2, rows_tok, axis=0)

    g = pl.pallas_call(
        _moe_g_kernel,
        grid_spec=pltpu.PrefetchScalarGridSpec(
            num_scalar_prefetch=2,
            grid=(nf, nb),
            in_specs=[
                pl.BlockSpec((bm, d), lambda j, i, be, nv: (i, 0)),
                pl.BlockSpec((1, d, bf), lambda j, i, be, nv: (be[i], 0, j)),
                pl.BlockSpec((1, d, bf), lambda j, i, be, nv: (be[i], 0, j)),
            ],
            out_specs=pl.BlockSpec((bm, bf), lambda j, i, be, nv: (i, j)),
        ),
        out_shape=jax.ShapeDtypeStruct((padt, f), jnp.bfloat16),
        compiler_params=pltpu.CompilerParams(
            dimension_semantics=("arbitrary", "arbitrary"),
        ),
    )(block_expert, nvalid, xs, w1, w3)

    ys = pl.pallas_call(
        _moe_y_kernel,
        grid_spec=pltpu.PrefetchScalarGridSpec(
            num_scalar_prefetch=2,
            grid=(nb,),
            in_specs=[
                pl.BlockSpec((bm, f), lambda i, be, nv: (i, 0)),
                pl.BlockSpec((1, f, d), lambda i, be, nv: (be[i], 0, 0)),
            ],
            out_specs=pl.BlockSpec((bm, d), lambda i, be, nv: (i, 0)),
        ),
        out_shape=jax.ShapeDtypeStruct((padt, d), jnp.bfloat16),
        compiler_params=pltpu.CompilerParams(
            dimension_semantics=("arbitrary",),
        ),
    )(block_expert, nvalid, g, w2)

    out = (gates[:, 0, None] * jnp.take(ys, token_pos[:, 0], axis=0)
           + gates[:, 1, None] * jnp.take(ys, token_pos[:, 1], axis=0))

    return (out.reshape(b, s_len, d), res.reshape(b, s_len, d))

# --- scband reference (transcript-rebuilt; emitter-appended) ---
"""Pipeline reference for scband-mixtral-decoder-layer-39238821216264 (READ-ONLY COPY).

The authoritative reference and input builder live on the scoring server;
editing this copy changes nothing except your own understanding.
"""

import jax, jax.numpy as jnp
import numpy as np

B, S, D = 1, 2048, 1024
H, KV, HD = 16, 4, 64
E, TOPK, F = 8, 2, 3584
EPS = 1e-6


def _rmsnorm(x, w, eps=EPS):
    var = jnp.mean(x.astype(jnp.float32) ** 2, axis=-1, keepdims=True)
    return (x * jax.lax.rsqrt(var + eps)) * w


def _rotate_half(x):
    x1, x2 = jnp.split(x, 2, axis=-1)
    return jnp.concatenate([-x2, x1], axis=-1)


def setup_inputs(seed: int = 0) -> dict:
    key = jax.random.key(seed)
    ks = jax.random.split(key, 10)
    hidden_states = jax.random.normal(ks[0], (B, S, D), dtype=jnp.float32)
    # proper rotary tables (overrides plain rand fill with faithful RoPE values)
    pos = jnp.arange(S, dtype=jnp.float32)
    inv_freq = 1.0 / (10000.0 ** (jnp.arange(0, HD, 2, dtype=jnp.float32) / HD))
    freqs = pos[:, None] * inv_freq[None, :]
    emb = jnp.concatenate([freqs, freqs], axis=-1)
    cos = jnp.cos(emb)
    sin = jnp.sin(emb)
    scale = 0.02
    w_qkv = jax.random.normal(ks[1], (D, (H + 2 * KV) * HD), dtype=jnp.float32) * scale
    w_o = jax.random.normal(ks[2], (H * HD, D), dtype=jnp.float32) * scale
    ln1_w = jnp.ones((D,), dtype=jnp.float32)
    ln2_w = jnp.ones((D,), dtype=jnp.float32)
    gate_w = jax.random.normal(ks[3], (D, E), dtype=jnp.float32) * scale
    w1 = jax.random.normal(ks[4], (E, D, F), dtype=jnp.float32) * scale
    w3 = jax.random.normal(ks[5], (E, D, F), dtype=jnp.float32) * scale
    w2 = jax.random.normal(ks[6], (E, F, D), dtype=jnp.float32) * scale
    return {
        'hidden_states': hidden_states, 'cos': cos, 'sin': sin,
        'ln1_w': ln1_w, 'w_qkv': w_qkv, 'w_o': w_o, 'ln2_w': ln2_w,
        'gate_w': gate_w, 'w1': w1, 'w3': w3, 'w2': w2,
    }


def reference(hidden_states, cos, sin, ln1_w, w_qkv, w_o, ln2_w, gate_w, w1, w3, w2):
    # residual is None at layer entry
    residual = hidden_states
    h = _rmsnorm(hidden_states, ln1_w)
    # merged qkv projection (colwise linear)
    qkv = h @ w_qkv
    qkv = qkv.reshape(B, S, H + 2 * KV, HD)
    q = qkv[:, :, :H, :]
    k = qkv[:, :, H:H + KV, :]
    v = qkv[:, :, H + KV:, :]
    # rotary embedding
    c = cos[None, :, None, :]
    s = sin[None, :, None, :]
    q = q * c + _rotate_half(q) * s
    k = k * c + _rotate_half(k) * s
    # GQA: repeat kv heads
    rep = H // KV
    k = jnp.repeat(k, rep, axis=2)
    v = jnp.repeat(v, rep, axis=2)
    qh = q.transpose(0, 2, 1, 3)
    kh = k.transpose(0, 2, 1, 3)
    vh = v.transpose(0, 2, 1, 3)
    scores = jnp.einsum('bhqd,bhkd->bhqk', qh, kh) / jnp.sqrt(jnp.float32(HD))
    causal = jnp.tril(jnp.ones((S, S), dtype=bool))
    scores = jnp.where(causal[None, None, :, :], scores, jnp.finfo(jnp.float32).min)
    probs = jax.nn.softmax(scores, axis=-1)
    attn = jnp.einsum('bhqk,bhkd->bhqd', probs, vh)
    attn = attn.transpose(0, 2, 1, 3).reshape(B, S, H * HD)
    attn_out = attn @ w_o
    # post attention layernorm with residual fuse
    residual = residual + attn_out
    h2 = _rmsnorm(residual, ln2_w)
    # sparse MoE block
    x = h2.reshape(-1, D)
    T = x.shape[0]
    router_logits = x @ gate_w
    rprobs = jax.nn.softmax(router_logits, axis=-1)
    topv, topi = jax.lax.top_k(rprobs, TOPK)
    topv = topv / jnp.sum(topv, axis=-1, keepdims=True)
    dense_w = jnp.zeros((T, E), dtype=x.dtype).at[jnp.arange(T)[:, None], topi].set(topv)
    out = jnp.zeros_like(x)
    for e in range(E):
        g = jax.nn.silu(x @ w1[e]) * (x @ w3[e])
        out = out + dense_w[:, e:e + 1] * (g @ w2[e])
    hidden_out = out.reshape(B, S, D)
    return (hidden_out, residual)

if __name__ == "__main__":
    import jax
    _d = setup_inputs()
    print(jax.jit(kernel)(*tuple(_d.values())))

</pallas_src>

<mosaic_0001>
module attributes {stable_mosaic.version = 14 : i64} {
  func.func @_qkv_rope_kernel(%arg0: i32, %arg1: memref<256x1024xf32, #tpu.memory_space<vmem>>, %arg2: memref<256x64xf32, #tpu.memory_space<vmem>>, %arg3: memref<256x64xf32, #tpu.memory_space<vmem>>, %arg4: memref<1024x1536xf32, #tpu.memory_space<vmem>>, %arg5: memref<16x256x64xbf16, #tpu.memory_space<vmem>>, %arg6: memref<4x256x64xbf16, #tpu.memory_space<vmem>>, %arg7: memref<4x256x64xbf16, #tpu.memory_space<vmem>>) attributes {dimension_semantics = [#tpu.dimension_semantics<arbitrary>], iteration_bounds = array<i64: 8>, scalar_prefetch = 0 : i64, scratch_operands = 0 : i64, tpu.core_type = #tpu.core_type<tc>, window_params = [{transform_indices = @transform_0, window_bounds = array<i64: 256, 1024>}, {transform_indices = @transform_1, window_bounds = array<i64: 256, 64>}, {transform_indices = @transform_2, window_bounds = array<i64: 256, 64>}, {pipeline_mode = #tpu.pipeline_mode<synchronous>, transform_indices = @transform_3, window_bounds = array<i64: 1024, 1536>}, {transform_indices = @transform_4, window_bounds = array<i64: 16, 256, 64>}, {transform_indices = @transform_5, window_bounds = array<i64: 4, 256, 64>}, {transform_indices = @transform_6, window_bounds = array<i64: 4, 256, 64>}]} {
    %get3A = arith.constant 0 : index
    %get3A_0 = arith.constant 0 : index
    %get3A_1 = vector.load %arg1[%get3A, %get3A_0] : memref<256x1024xf32, #tpu.memory_space<vmem>>, vector<256x1024xf32>
    %get3A_2 = arith.constant 0 : index
    %get3A_3 = arith.constant 0 : index
    %get3A_4 = vector.load %arg4[%get3A_2, %get3A_3] : memref<1024x1536xf32, #tpu.memory_space<vmem>>, vector<1024x1536xf32>
    %convert_element_type3A = arith.truncf %get3A_1 : vector<256x1024xf32> to vector<256x1024xbf16>
    %convert_element_type3A_5 = arith.truncf %get3A_4 : vector<1024x1536xf32> to vector<1024x1536xbf16>
    %dot_general3A = arith.constant dense<0.000000e+00> : vector<256x1536xf32>
    %dot_general3A_6 = tpu.matmul %convert_element_type3A, %convert_element_type3A_5, %dot_general3A {dimension_numbers = #tpu.dot_dimension_numbers<[1], [0], [0], [1], [0, 0, 1, 1], [], []>, transpose_lhs_hint = false} : vector<256x1024xbf16>, vector<1024x1536xbf16>, vector<256x1536xf32> -> vector<256x1536xf32>
    %reshape3A = vector.shape_cast %dot_general3A_6 : vector<256x1536xf32> to vector<256x24x64xf32>
    %get3A_7 = arith.constant 0 : index
    %get3A_8 = arith.constant 0 : index
    %get3A_9 = vector.load %arg2[%get3A_7, %get3A_8] : memref<256x64xf32, #tpu.memory_space<vmem>>, vector<256x64xf32>
    %broadcast_in_dim3A = vector.shape_cast %get3A_9 : vector<256x64xf32> to vector<256x1x64xf32>
    %get3A_10 = arith.constant 0 : index
    %get3A_11 = arith.constant 0 : index
    %get3A_12 = vector.load %arg3[%get3A_10, %get3A_11] : memref<256x64xf32, #tpu.memory_space<vmem>>, vector<256x64xf32>
    %broadcast_in_dim3A_13 = vector.shape_cast %get3A_12 : vector<256x64xf32> to vector<256x1x64xf32>
    %slice3A = vector.extract_strided_slice %reshape3A {offsets = [0, 0, 0], sizes = [256, 20, 64], strides = [1, 1, 1]} : vector<256x24x64xf32> to vector<256x20x64xf32>
    %slice3A_14 = vector.extract_strided_slice %slice3A {offsets = [0, 0, 0], sizes = [256, 20, 32], strides = [1, 1, 1]} : vector<256x20x64xf32> to vector<256x20x32xf32>
    %slice3A_15 = vector.extract_strided_slice %slice3A {offsets = [0, 0, 32], sizes = [256, 20, 32], strides = [1, 1, 1]} : vector<256x20x64xf32> to vector<256x20x32xf32>
    %neg3A = arith.constant 0.000000e+00 : f32
    %neg3A_16 = vector.broadcast %neg3A : f32 to vector<256x20x32xf32>
    %neg3A_17 = arith.subf %neg3A_16, %slice3A_15 : vector<256x20x32xf32>
    %concatenate3A = tpu.concatenate %neg3A_17, %slice3A_14 in 2 : vector<256x20x32xf32>, vector<256x20x32xf32> -> vector<256x20x64xf32>
    %mul3A = vector.broadcast %broadcast_in_dim3A : vector<256x1x64xf32> to vector<256x20x64xf32>
    %mul3A_18 = arith.mulf %slice3A, %mul3A : vector<256x20x64xf32>
    %mul3A_19 = vector.broadcast %broadcast_in_dim3A_13 : vector<256x1x64xf32> to vector<256x20x64xf32>
    %mul3A_20 = arith.mulf %concatenate3A, %mul3A_19 : vector<256x20x64xf32>
    %add3A = arith.addf %mul3A_18, %mul3A_20 : vector<256x20x64xf32>
    %slice3A_21 = vector.extract_strided_slice %add3A {offsets = [0, 0, 0], sizes = [256, 16, 64], strides = [1, 1, 1]} : vector<256x20x64xf32> to vector<256x16x64xf32>
    %transpose3A = tpu.transpose %slice3A_21, [1, 0, 2] : vector<256x16x64xf32> -> vector<16x256x64xf32>
    %convert_element_type3A_22 = arith.truncf %transpose3A : vector<16x256x64xf32> to vector<16x256x64xbf16>
    %swap3A = arith.constant 0 : index
    %swap3A_23 = arith.constant 0 : index
    %swap3A_24 = arith.constant 0 : index
    %swap3A_25 = vector.load %arg5[%swap3A, %swap3A_23, %swap3A_24] : memref<16x256x64xbf16, #tpu.memory_space<vmem>>, vector<16x256x64xbf16>
    tpu.vector_store %arg5[%swap3A, %swap3A_23, %swap3A_24], %convert_element_type3A_22 {strides = array<i32>} : memref<16x256x64xbf16, #tpu.memory_space<vmem>>, vector<16x256x64xbf16>,
    %slice3A_26 = vector.extract_strided_slice %add3A {offsets = [0, 16, 0], sizes = [256, 4, 64], strides = [1, 1, 1]} : vector<256x20x64xf32> to vector<256x4x64xf32>
    %transpose3A_27 = tpu.transpose %slice3A_26, [1, 0, 2] : vector<256x4x64xf32> -> vector<4x256x64xf32>
    %convert_element_type3A_28 = arith.truncf %transpose3A_27 : vector<4x256x64xf32> to vector<4x256x64xbf16>
    %swap3A_29 = arith.constant 0 : index
    %swap3A_30 = arith.constant 0 : index
    %swap3A_31 = arith.constant 0 : index
    %swap3A_32 = vector.load %arg6[%swap3A_29, %swap3A_30, %swap3A_31] : memref<4x256x64xbf16, #tpu.memory_space<vmem>>, vector<4x256x64xbf16>
    tpu.vector_store %arg6[%swap3A_29, %swap3A_30, %swap3A_31], %convert_element_type3A_28 {strides = array<i32>} : memref<4x256x64xbf16, #tpu.memory_space<vmem>>, vector<4x256x64xbf16>,
    %slice3A_33 = vector.extract_strided_slice %reshape3A {offsets = [0, 20, 0], sizes = [256, 4, 64], strides = [1, 1, 1]} : vector<256x24x64xf32> to vector<256x4x64xf32>
    %transpose3A_34 = tpu.transpose %slice3A_33, [1, 0, 2] : vector<256x4x64xf32> -> vector<4x256x64xf32>
    %convert_element_type3A_35 = arith.truncf %transpose3A_34 : vector<4x256x64xf32> to vector<4x256x64xbf16>
    %swap3A_36 = arith.constant 0 : index
    %swap3A_37 = arith.constant 0 : index
    %swap3A_38 = arith.constant 0 : index
    %swap3A_39 = vector.load %arg7[%swap3A_36, %swap3A_37, %swap3A_38] : memref<4x256x64xbf16, #tpu.memory_space<vmem>>, vector<4x256x64xbf16>
    tpu.vector_store %arg7[%swap3A_36, %swap3A_37, %swap3A_38], %convert_element_type3A_35 {strides = array<i32>} : memref<4x256x64xbf16, #tpu.memory_space<vmem>>, vector<4x256x64xbf16>,
    return
  }
  func.func @transform_0(%arg0: i32) -> (i32, i32) {
    %c0_i32 = arith.constant 0 : i32
    %c0_i32_0 = arith.constant 0 : i32
    return %arg0, %c0_i32 : i32, i32
  }
  func.func @transform_1(%arg0: i32) -> (i32, i32) {
    %c0_i32 = arith.constant 0 : i32
    %c0_i32_0 = arith.constant 0 : i32
    return %arg0, %c0_i32 : i32, i32
  }
  func.func @transform_2(%arg0: i32) -> (i32, i32) {
    %c0_i32 = arith.constant 0 : i32
    %c0_i32_0 = arith.constant 0 : i32
    return %arg0, %c0_i32 : i32, i32
  }
  func.func @transform_3(%arg0: i32) -> (i32, i32) {
    %c0_i32 = arith.constant 0 : i32
    %c0_i32_0 = arith.constant 0 : i32
    %c0_i32_1 = arith.constant 0 : i32
    return %c0_i32, %c0_i32_0 : i32, i32
  }
  func.func @transform_4(%arg0: i32) -> (i32, i32, i32) {
    %c0_i32 = arith.constant 0 : i32
    %c0_i32_0 = arith.constant 0 : i32
    %c0_i32_1 = arith.constant 0 : i32
    return %c0_i32, %arg0, %c0_i32_0 : i32, i32, i32
  }
  func.func @transform_5(%arg0: i32) -> (i32, i32, i32) {
    %c0_i32 = arith.constant 0 : i32
    %c0_i32_0 = arith.constant 0 : i32
    %c0_i32_1 = arith.constant 0 : i32
    return %c0_i32, %arg0, %c0_i32_0 : i32, i32, i32
  }
  func.func @transform_6(%arg0: i32) -> (i32, i32, i32) {
    %c0_i32 = arith.constant 0 : i32
    %c0_i32_0 = arith.constant 0 : i32
    %c0_i32_1 = arith.constant 0 : i32
    return %c0_i32, %arg0, %c0_i32_0 : i32, i32, i32
  }
}

module attributes {stable_mosaic.version = 14 : i64} {
  func.func @_attn_kernel(%arg0: i32, %arg1: i32, %arg2: memref<1x256x64xbf16, #tpu.memory_space<vmem>>, %arg3: memref<1x2048x64xbf16, #tpu.memory_space<vmem>>, %arg4: memref<1x2048x64xbf16, #tpu.memory_space<vmem>>, %arg5: memref<1x256x64xf32, #tpu.memory_space<vmem>>) attributes {dimension_semantics = [#tpu.dimension_semantics<arbitrary>, #tpu.dimension_semantics<arbitrary>], iteration_bounds = array<i64: 16, 8>, scalar_prefetch = 0 : i64, scratch_operands = 0 : i64, tpu.core_type = #tpu.core_type<tc>, window_params = [{transform_indices = @transform_0, window_bounds = array<i64: 1, 256, 64>}, {transform_indices = @transform_1, window_bounds = array<i64: 1, 2048, 64>}, {transform_indices = @transform_2, window_bounds = array<i64: 1, 2048, 64>}, {transform_indices = @transform_3, window_bounds = array<i64: 1, 256, 64>}]} {
    %get3A = arith.constant 0 : index
    %get3A_0 = arith.constant 0 : index
    %get3A_1 = arith.constant 0 : index
    %get3A_2 = vector.load %arg2[%get3A, %get3A_0, %get3A_1] : memref<1x256x64xbf16, #tpu.memory_space<vmem>>, vector<1x256x64xbf16>
    %get3A_3 = vector.shape_cast %get3A_2 : vector<1x256x64xbf16> to vector<256x64xbf16>
    %get3A_4 = arith.constant 0 : index
    %get3A_5 = arith.constant 0 : index
    %get3A_6 = arith.constant 0 : index
    %get3A_7 = vector.load %arg3[%get3A_4, %get3A_5, %get3A_6] : memref<1x2048x64xbf16, #tpu.memory_space<vmem>>, vector<1x2048x64xbf16>
    %get3A_8 = vector.shape_cast %get3A_7 : vector<1x2048x64xbf16> to vector<2048x64xbf16>
    %dot_general3A = arith.constant dense<0.000000e+00> : vector<256x2048xf32>
    %dot_general3A_9 = tpu.matmul %get3A_3, %get3A_8, %dot_general3A {dimension_numbers = #tpu.dot_dimension_numbers<[1], [1], [0], [0], [0, 0, 1, 0], [], []>, transpose_lhs_hint = false} : vector<256x64xbf16>, vector<2048x64xbf16>, vector<256x2048xf32> -> vector<256x2048xf32>
    %sqrt3A = arith.constant 6.400000e+01 : f32
    %sqrt3A_10 = math.sqrt %sqrt3A : f32
    %div3A = arith.constant 1.000000e+00 : f32
    %div3A_11 = arith.divf %div3A, %sqrt3A_10 : f32
    %mul3A = vector.broadcast %div3A_11 : f32 to vector<256x2048xf32>
    %mul3A_12 = arith.mulf %dot_general3A_9, %mul3A : vector<256x2048xf32>
    %mul3A_13 = arith.constant 256 : i32
    %mul3A_14 = arith.muli %arg1, %mul3A_13 : i32
    %iota3A = tpu.iota {dimensions = array<i32: 0>} : vector<256x2048xi32>
    %add3A = vector.broadcast %mul3A_14 : i32 to vector<256x2048xi32>
    %add3A_15 = arith.addi %add3A, %iota3A : vector<256x2048xi32>
    %iota3A_16 = tpu.iota {dimensions = array<i32: 1>} : vector<256x2048xi32>
    %le3A = arith.cmpi sle, %iota3A_16, %add3A_15 : vector<256x2048xi32>
    %jit3A = arith.constant -3.40282347E+38 : f32
    %broadcast_in_dim3A = vector.broadcast %jit3A : f32 to vector<256x2048xf32>
    %select_n3A = arith.select %le3A, %mul3A_12, %broadcast_in_dim3A : vector<256x2048xi1>, vector<256x2048xf32>
    %reduce_max3A = arith.constant dense<0xFF800000> : vector<256xf32>
    %reduce_max3A_17 = vector.multi_reduction <maximumf>, %select_n3A, %reduce_max3A [1] : vector<256x2048xf32> to vector<256xf32>
    %broadcast_in_dim3A_18 = vector.shape_cast %reduce_max3A_17 : vector<256xf32> to vector<256x1xf32>
    %sub3A = vector.broadcast %broadcast_in_dim3A_18 : vector<256x1xf32> to vector<256x2048xf32>
    %sub3A_19 = arith.subf %select_n3A, %sub3A : vector<256x2048xf32>
    %exp3A = math.exp %sub3A_19 : vector<256x2048xf32>
    %reduce_sum3A = arith.constant dense<0.000000e+00> : vector<256xf32>
    %reduce_sum3A_20 = vector.multi_reduction <add>, %exp3A, %reduce_sum3A [1] : vector<256x2048xf32> to vector<256xf32>
    %broadcast_in_dim3A_21 = vector.shape_cast %reduce_sum3A_20 : vector<256xf32> to vector<256x1xf32>
    %get3A_22 = arith.constant 0 : index
    %get3A_23 = arith.constant 0 : index
    %get3A_24 = arith.constant 0 : index
    %get3A_25 = vector.load %arg4[%get3A_22, %get3A_23, %get3A_24] : memref<1x2048x64xbf16, #tpu.memory_space<vmem>>, vector<1x2048x64xbf16>
    %get3A_26 = vector.shape_cast %get3A_25 : vector<1x2048x64xbf16> to vector<2048x64xbf16>
    %convert_element_type3A = arith.truncf %exp3A : vector<256x2048xf32> to vector<256x2048xbf16>
    %dot_general3A_27 = arith.constant dense<0.000000e+00> : vector<256x64xf32>
    %dot_general3A_28 = tpu.matmul %convert_element_type3A, %get3A_26, %dot_general3A_27 {dimension_numbers = #tpu.dot_dimension_numbers<[1], [0], [0], [1], [0, 0, 1, 1], [], []>, transpose_lhs_hint = false} : vector<256x2048xbf16>, vector<2048x64xbf16>, vector<256x64xf32> -> vector<256x64xf32>
    %div3A_29 = vector.broadcast %broadcast_in_dim3A_21 : vector<256x1xf32> to vector<256x64xf32>
    %div3A_30 = arith.divf %dot_general3A_28, %div3A_29 : vector<256x64xf32>
    %swap3A = arith.constant 0 : index
    %swap3A_31 = arith.constant 0 : index
    %swap3A_32 = arith.constant 0 : index
    %swap3A_33 = vector.load %arg5[%swap3A, %swap3A_31, %swap3A_32] : memref<1x256x64xf32, #tpu.memory_space<vmem>>, vector<1x256x64xf32>
    %swap3A_34 = vector.shape_cast %swap3A_33 : vector<1x256x64xf32> to vector<256x64xf32>
    %swap3A_35 = vector.shape_cast %div3A_30 : vector<256x64xf32> to vector<1x256x64xf32>
    tpu.vector_store %arg5[%swap3A, %swap3A_31, %swap3A_32], %swap3A_35 {strides = array<i32>} : memref<1x256x64xf32, #tpu.memory_space<vmem>>, vector<1x256x64xf32>,
    return
  }
  func.func @transform_0(%arg0: i32, %arg1: i32) -> (i32, i32, i32) {
    %c0_i32 = arith.constant 0 : i32
    %c0_i32_0 = arith.constant 0 : i32
    return %arg0, %arg1, %c0_i32 : i32, i32, i32
  }
  func.func @transform_1(%arg0: i32, %arg1: i32) -> (i32, i32, i32) {
    %jit3A = arith.constant 4 : i32
    %div3A = arith.divsi %arg0, %jit3A : i32
    %sign3A = arith.constant 0 : i32
    %sign3A_0 = arith.cmpi sgt, %arg0, %sign3A : i32
    %sign3A_1 = arith.extui %sign3A_0 : i1 to i32
    %sign3A_2 = arith.constant 0 : i32
    %sign3A_3 = arith.cmpi slt, %arg0, %sign3A_2 : i32
    %sign3A_4 = arith.extui %sign3A_3 : i1 to i32
    %sign3A_5 = arith.subi %sign3A_1, %sign3A_4 : i32
    %sign3A_6 = arith.constant 0 : i32
    %sign3A_7 = arith.cmpi sgt, %jit3A, %sign3A_6 : i32
    %sign3A_8 = arith.extui %sign3A_7 : i1 to i32
    %sign3A_9 = arith.constant 0 : i32
    %sign3A_10 = arith.cmpi slt, %jit3A, %sign3A_9 : i32
    %sign3A_11 = arith.extui %sign3A_10 : i1 to i32
    %sign3A_12 = arith.subi %sign3A_8, %sign3A_11 : i32
    %ne3A = arith.cmpi ne, %sign3A_5, %sign3A_12 : i32
    %rem3A = arith.remsi %arg0, %jit3A : i32
    %ne3A_13 = arith.constant 0 : i32
    %ne3A_14 = arith.cmpi ne, %rem3A, %ne3A_13 : i32
    %and3A = arith.andi %ne3A, %ne3A_14 : i1
    %sub3A = arith.constant 1 : i32
    %sub3A_15 = arith.subi %div3A, %sub3A : i32
    %select_n3A = arith.select %and3A, %sub3A_15, %div3A : i32
    %c0_i32 = arith.constant 0 : i32
    %c0_i32_16 = arith.constant 0 : i32
    %c0_i32_17 = arith.constant 0 : i32
    return %select_n3A, %c0_i32, %c0_i32_16 : i32, i32, i32
  }
  func.func @transform_2(%arg0: i32, %arg1: i32) -> (i32, i32, i32) {
    %jit3A = arith.constant 4 : i32
    %div3A = arith.divsi %arg0, %jit3A : i32
    %sign3A = arith.constant 0 : i32
    %sign3A_0 = arith.cmpi sgt, %arg0, %sign3A : i32
    %sign3A_1 = arith.extui %sign3A_0 : i1 to i32
    %sign3A_2 = arith.constant 0 : i32
    %sign3A_3 = arith.cmpi slt, %arg0, %sign3A_2 : i32
    %sign3A_4 = arith.extui %sign3A_3 : i1 to i32
    %sign3A_5 = arith.subi %sign3A_1, %sign3A_4 : i32
    %sign3A_6 = arith.constant 0 : i32
    %sign3A_7 = arith.cmpi sgt, %jit3A, %sign3A_6 : i32
    %sign3A_8 = arith.extui %sign3A_7 : i1 to i32
    %sign3A_9 = arith.constant 0 : i32
    %sign3A_10 = arith.cmpi slt, %jit3A, %sign3A_9 : i32
    %sign3A_11 = arith.extui %sign3A_10 : i1 to i32
    %sign3A_12 = arith.subi %sign3A_8, %sign3A_11 : i32
    %ne3A = arith.cmpi ne, %sign3A_5, %sign3A_12 : i32
    %rem3A = arith.remsi %arg0, %jit3A : i32
    %ne3A_13 = arith.constant 0 : i32
    %ne3A_14 = arith.cmpi ne, %rem3A, %ne3A_13 : i32
    %and3A = arith.andi %ne3A, %ne3A_14 : i1
    %sub3A = arith.constant 1 : i32
    %sub3A_15 = arith.subi %div3A, %sub3A : i32
    %select_n3A = arith.select %and3A, %sub3A_15, %div3A : i32
    %c0_i32 = arith.constant 0 : i32
    %c0_i32_16 = arith.constant 0 : i32
    %c0_i32_17 = arith.constant 0 : i32
    return %select_n3A, %c0_i32, %c0_i32_16 : i32, i32, i32
  }
  func.func @transform_3(%arg0: i32, %arg1: i32) -> (i32, i32, i32) {
    %c0_i32 = arith.constant 0 : i32
    %c0_i32_0 = arith.constant 0 : i32
    return %arg0, %arg1, %c0_i32 : i32, i32, i32
  }
}

module attributes {stable_mosaic.version = 14 : i64} {
  func.func @_oproj_router_kernel(%arg0: i32, %arg1: memref<256x1024xf32, #tpu.memory_space<vmem>>, %arg2: memref<256x1024xf32, #tpu.memory_space<vmem>>, %arg3: memref<1024x1024xf32, #tpu.memory_space<vmem>>, %arg4: memref<256x1024xf32, #tpu.memory_space<vmem>>) attributes {dimension_semantics = [#tpu.dimension_semantics<arbitrary>], iteration_bounds = array<i64: 8>, scalar_prefetch = 0 : i64, scratch_operands = 0 : i64, tpu.core_type = #tpu.core_type<tc>, window_params = [{transform_indices = @transform_0, window_bounds = array<i64: 256, 1024>}, {transform_indices = @transform_1, window_bounds = array<i64: 256, 1024>}, {pipeline_mode = #tpu.pipeline_mode<synchronous>, transform_indices = @transform_2, window_bounds = array<i64: 1024, 1024>}, {transform_indices = @transform_3, window_bounds = array<i64: 256, 1024>}]} {
    %get3A = arith.constant 0 : index
    %get3A_0 = arith.constant 0 : index
    %get3A_1 = vector.load %arg2[%get3A, %get3A_0] : memref<256x1024xf32, #tpu.memory_space<vmem>>, vector<256x1024xf32>
    %get3A_2 = arith.constant 0 : index
    %get3A_3 = arith.constant 0 : index
    %get3A_4 = vector.load %arg1[%get3A_2, %get3A_3] : memref<256x1024xf32, #tpu.memory_space<vmem>>, vector<256x1024xf32>
    %get3A_5 = arith.constant 0 : index
    %get3A_6 = arith.constant 0 : index
    %get3A_7 = vector.load %arg3[%get3A_5, %get3A_6] : memref<1024x1024xf32, #tpu.memory_space<vmem>>, vector<1024x1024xf32>
    %convert_element_type3A = arith.truncf %get3A_4 : vector<256x1024xf32> to vector<256x1024xbf16>
    %convert_element_type3A_8 = arith.truncf %get3A_7 : vector<1024x1024xf32> to vector<1024x1024xbf16>
    %dot_general3A = arith.constant dense<0.000000e+00> : vector<256x1024xf32>
    %dot_general3A_9 = tpu.matmul %convert_element_type3A, %convert_element_type3A_8, %dot_general3A {dimension_numbers = #tpu.dot_dimension_numbers<[1], [0], [0], [1], [0, 0, 1, 1], [], []>, transpose_lhs_hint = false} : vector<256x1024xbf16>, vector<1024x1024xbf16>, vector<256x1024xf32> -> vector<256x1024xf32>
    %add3A = arith.addf %get3A_1, %dot_general3A_9 : vector<256x1024xf32>
    %swap3A = arith.constant 0 : index
    %swap3A_10 = arith.constant 0 : index
    %swap3A_11 = vector.load %arg4[%swap3A, %swap3A_10] : memref<256x1024xf32, #tpu.memory_space<vmem>>, vector<256x1024xf32>
    tpu.vector_store %arg4[%swap3A, %swap3A_10], %add3A {strides = array<i32>} : memref<256x1024xf32, #tpu.memory_space<vmem>>, vector<256x1024xf32>,
    return
  }
  func.func @transform_0(%arg0: i32) -> (i32, i32) {
    %c0_i32 = arith.constant 0 : i32
    %c0_i32_0 = arith.constant 0 : i32
    return %arg0, %c0_i32 : i32, i32
  }
  func.func @transform_1(%arg0: i32) -> (i32, i32) {
    %c0_i32 = arith.constant 0 : i32
    %c0_i32_0 = arith.constant 0 : i32
    return %arg0, %c0_i32 : i32, i32
  }
  func.func @transform_2(%arg0: i32) -> (i32, i32) {
    %c0_i32 = arith.constant 0 : i32
    %c0_i32_0 = arith.constant 0 : i32
    %c0_i32_1 = arith.constant 0 : i32
    return %c0_i32, %c0_i32_0 : i32, i32
  }
  func.func @transform_3(%arg0: i32) -> (i32, i32) {
    %c0_i32 = arith.constant 0 : i32
    %c0_i32_0 = arith.constant 0 : i32
    return %arg0, %c0_i32 : i32, i32
  }
}

module attributes {stable_mosaic.version = 14 : i64} {
  func.func @_moe_g_kernel(%arg0: i32, %arg1: i32, %arg2: memref<24xi32, #tpu.memory_space<smem>>, %arg3: memref<1xi32, #tpu.memory_space<smem>>, %arg4: memref<256x1024xbf16, #tpu.memory_space<vmem>>, %arg5: memref<1x1024x896xf32, #tpu.memory_space<vmem>>, %arg6: memref<1x1024x896xf32, #tpu.memory_space<vmem>>, %arg7: memref<256x896xbf16, #tpu.memory_space<vmem>>) attributes {dimension_semantics = [#tpu.dimension_semantics<arbitrary>, #tpu.dimension_semantics<arbitrary>], iteration_bounds = array<i64: 4, 24>, scalar_prefetch = 2 : i64, scratch_operands = 0 : i64, tpu.core_type = #tpu.core_type<tc>, window_params = [{transform_indices = @transform_0, window_bounds = array<i64: 256, 1024>}, {transform_indices = @transform_1, window_bounds = array<i64: 1, 1024, 896>}, {transform_indices = @transform_2, window_bounds = array<i64: 1, 1024, 896>}, {transform_indices = @transform_3, window_bounds = array<i64: 256, 896>}]} {
    %get3A = arith.constant 0 : index
    %get3A_0 = memref.load %arg3[%get3A] : memref<1xi32, #tpu.memory_space<smem>>
    %lt3A = arith.cmpi slt, %arg1, %get3A_0 : i32
    %convert_element_type3A = arith.extui %lt3A : i1 to i32
    %cond3A = arith.constant 0 : i32
    %cond3A_1 = arith.cmpi ne, %convert_element_type3A, %cond3A : i32
    scf.if %cond3A_1 {
      %get3A_2 = arith.constant 0 : index
      %get3A_3 = arith.constant 0 : index
      %get3A_4 = vector.load %arg4[%get3A_2, %get3A_3] : memref<256x1024xbf16, #tpu.memory_space<vmem>>, vector<256x1024xbf16>
      %get3A_5 = arith.constant 0 : index
      %get3A_6 = arith.constant 0 : index
      %get3A_7 = arith.constant 0 : index
      %get3A_8 = vector.load %arg5[%get3A_5, %get3A_6, %get3A_7] : memref<1x1024x896xf32, #tpu.memory_space<vmem>>, vector<1x1024x896xf32>
      %get3A_9 = vector.shape_cast %get3A_8 : vector<1x1024x896xf32> to vector<1024x896xf32>
      %convert_element_type3A_10 = arith.truncf %get3A_9 : vector<1024x896xf32> to vector<1024x896xbf16>
      %dot_general3A = arith.constant dense<0.000000e+00> : vector<256x896xf32>
      %dot_general3A_11 = tpu.matmul %get3A_4, %convert_element_type3A_10, %dot_general3A {dimension_numbers = #tpu.dot_dimension_numbers<[1], [0], [0], [1], [0, 0, 1, 1], [], []>, transpose_lhs_hint = false} : vector<256x1024xbf16>, vector<1024x896xbf16>, vector<256x896xf32> -> vector<256x896xf32>
      %get3A_12 = arith.constant 0 : index
      %get3A_13 = arith.constant 0 : index
      %get3A_14 = arith.constant 0 : index
      %get3A_15 = vector.load %arg6[%get3A_12, %get3A_13, %get3A_14] : memref<1x1024x896xf32, #tpu.memory_space<vmem>>, vector<1x1024x896xf32>
      %get3A_16 = vector.shape_cast %get3A_15 : vector<1x1024x896xf32> to vector<1024x896xf32>
      %convert_element_type3A_17 = arith.truncf %get3A_16 : vector<1024x896xf32> to vector<1024x896xbf16>
      %dot_general3A_18 = arith.constant dense<0.000000e+00> : vector<256x896xf32>
      %dot_general3A_19 = tpu.matmul %get3A_4, %convert_element_type3A_17, %dot_general3A_18 {dimension_numbers = #tpu.dot_dimension_numbers<[1], [0], [0], [1], [0, 0, 1, 1], [], []>, transpose_lhs_hint = false} : vector<256x1024xbf16>, vector<1024x896xbf16>, vector<256x896xf32> -> vector<256x896xf32>
      %logistic3A = arith.negf %dot_general3A_11 : vector<256x896xf32>
      %logistic3A_20 = math.exp %logistic3A : vector<256x896xf32>
      %logistic3A_21 = arith.constant 1.000000e+00 : f32
      %logistic3A_22 = vector.broadcast %logistic3A_21 : f32 to vector<256x896xf32>
      %logistic3A_23 = arith.addf %logistic3A_22, %logistic3A_20 : vector<256x896xf32>
      %logistic3A_24 = arith.divf %logistic3A_22, %logistic3A_23 : vector<256x896xf32>
      %mul3A = arith.mulf %dot_general3A_11, %logistic3A_24 : vector<256x896xf32>
      %mul3A_25 = arith.mulf %mul3A, %dot_general3A_19 : vector<256x896xf32>
      %convert_element_type3A_26 = arith.truncf %mul3A_25 : vector<256x896xf32> to vector<256x896xbf16>
      %swap3A = arith.constant 0 : index
      %swap3A_27 = arith.constant 0 : index
      %swap3A_28 = vector.load %arg7[%swap3A, %swap3A_27] : memref<256x896xbf16, #tpu.memory_space<vmem>>, vector<256x896xbf16>
      tpu.vector_store %arg7[%swap3A, %swap3A_27], %convert_element_type3A_26 {strides = array<i32>} : memref<256x896xbf16, #tpu.memory_space<vmem>>, vector<256x896xbf16>,
    } else {
    }
    return
  }
  func.func @transform_0(%arg0: i32, %arg1: i32, %arg2: memref<24xi32, #tpu.memory_space<smem>>, %arg3: memref<1xi32, #tpu.memory_space<smem>>) -> (i32, i32) {
    %c0_i32 = arith.constant 0 : i32
    %c0_i32_0 = arith.constant 0 : i32
    return %arg1, %c0_i32 : i32, i32
  }
  func.func @transform_1(%arg0: i32, %arg1: i32, %arg2: memref<24xi32, #tpu.memory_space<smem>>, %arg3: memref<1xi32, #tpu.memory_space<smem>>) -> (i32, i32, i32) {
    %get3A = arith.index_cast %arg1 : i32 to index
    %get3A_0 = memref.load %arg2[%get3A] : memref<24xi32, #tpu.memory_space<smem>>
    %c0_i32 = arith.constant 0 : i32
    %c0_i32_1 = arith.constant 0 : i32
    return %get3A_0, %c0_i32, %arg0 : i32, i32, i32
  }
  func.func @transform_2(%arg0: i32, %arg1: i32, %arg2: memref<24xi32, #tpu.memory_space<smem>>, %arg3: memref<1xi32, #tpu.memory_space<smem>>) -> (i32, i32, i32) {
    %get3A = arith.index_cast %arg1 : i32 to index
    %get3A_0 = memref.load %arg2[%get3A] : memref<24xi32, #tpu.memory_space<smem>>
    %c0_i32 = arith.constant 0 : i32
    %c0_i32_1 = arith.constant 0 : i32
    return %get3A_0, %c0_i32, %arg0 : i32, i32, i32
  }
  func.func @transform_3(%arg0: i32, %arg1: i32, %arg2: memref<24xi32, #tpu.memory_space<smem>>, %arg3: memref<1xi32, #tpu.memory_space<smem>>) -> (i32, i32) {
    %c0_i32 = arith.constant 0 : i32
    return %arg1, %arg0 : i32, i32
  }
}

module attributes {stable_mosaic.version = 14 : i64} {
  func.func @_moe_y_kernel(%arg0: i32, %arg1: memref<24xi32, #tpu.memory_space<smem>>, %arg2: memref<1xi32, #tpu.memory_space<smem>>, %arg3: memref<256x3584xbf16, #tpu.memory_space<vmem>>, %arg4: memref<1x3584x1024xf32, #tpu.memory_space<vmem>>, %arg5: memref<256x1024xbf16, #tpu.memory_space<vmem>>) attributes {dimension_semantics = [#tpu.dimension_semantics<arbitrary>], iteration_bounds = array<i64: 24>, scalar_prefetch = 2 : i64, scratch_operands = 0 : i64, tpu.core_type = #tpu.core_type<tc>, window_params = [{transform_indices = @transform_0, window_bounds = array<i64: 256, 3584>}, {transform_indices = @transform_1, window_bounds = array<i64: 1, 3584, 1024>}, {transform_indices = @transform_2, window_bounds = array<i64: 256, 1024>}]} {
    %get3A = arith.constant 0 : index
    %get3A_0 = memref.load %arg2[%get3A] : memref<1xi32, #tpu.memory_space<smem>>
    %lt3A = arith.cmpi slt, %arg0, %get3A_0 : i32
    %convert_element_type3A = arith.extui %lt3A : i1 to i32
    %cond3A = arith.constant 0 : i32
    %cond3A_1 = arith.cmpi ne, %convert_element_type3A, %cond3A : i32
    scf.if %cond3A_1 {
      %get3A_2 = arith.constant 0 : index
      %get3A_3 = arith.constant 0 : index
      %get3A_4 = vector.load %arg3[%get3A_2, %get3A_3] : memref<256x3584xbf16, #tpu.memory_space<vmem>>, vector<256x3584xbf16>
      %get3A_5 = arith.constant 0 : index
      %get3A_6 = arith.constant 0 : index
      %get3A_7 = arith.constant 0 : index
      %get3A_8 = vector.load %arg4[%get3A_5, %get3A_6, %get3A_7] : memref<1x3584x1024xf32, #tpu.memory_space<vmem>>, vector<1x3584x1024xf32>
      %get3A_9 = vector.shape_cast %get3A_8 : vector<1x3584x1024xf32> to vector<3584x1024xf32>
      %convert_element_type3A_10 = arith.truncf %get3A_9 : vector<3584x1024xf32> to vector<3584x1024xbf16>
      %dot_general3A = arith.constant dense<0.000000e+00> : vector<256x1024xf32>
      %dot_general3A_11 = tpu.matmul %get3A_4, %convert_element_type3A_10, %dot_general3A {dimension_numbers = #tpu.dot_dimension_numbers<[1], [0], [0], [1], [0, 0, 1, 1], [], []>, transpose_lhs_hint = false} : vector<256x3584xbf16>, vector<3584x1024xbf16>, vector<256x1024xf32> -> vector<256x1024xf32>
      %convert_element_type3A_12 = arith.truncf %dot_general3A_11 : vector<256x1024xf32> to vector<256x1024xbf16>
      %swap3A = arith.constant 0 : index
      %swap3A_13 = arith.constant 0 : index
      %swap3A_14 = vector.load %arg5[%swap3A, %swap3A_13] : memref<256x1024xbf16, #tpu.memory_space<vmem>>, vector<256x1024xbf16>
      tpu.vector_store %arg5[%swap3A, %swap3A_13], %convert_element_type3A_12 {strides = array<i32>} : memref<256x1024xbf16, #tpu.memory_space<vmem>>, vector<256x1024xbf16>,
    } else {
    }
    return
  }
  func.func @transform_0(%arg0: i32, %arg1: memref<24xi32, #tpu.memory_space<smem>>, %arg2: memref<1xi32, #tpu.memory_space<smem>>) -> (i32, i32) {
    %c0_i32 = arith.constant 0 : i32
    %c0_i32_0 = arith.constant 0 : i32
    return %arg0, %c0_i32 : i32, i32
  }
  func.func @transform_1(%arg0: i32, %arg1: memref<24xi32, #tpu.memory_space<smem>>, %arg2: memref<1xi32, #tpu.memory_space<smem>>) -> (i32, i32, i32) {
    %get3A = arith.index_cast %arg0 : i32 to index
    %get3A_0 = memref.load %arg1[%get3A] : memref<24xi32, #tpu.memory_space<smem>>
    %c0_i32 = arith.constant 0 : i32
    %c0_i32_1 = arith.constant 0 : i32
    %c0_i32_2 = arith.constant 0 : i32
    return %get3A_0, %c0_i32, %c0_i32_1 : i32, i32, i32
  }
  func.func @transform_2(%arg0: i32, %arg1: memref<24xi32, #tpu.memory_space<smem>>, %arg2: memref<1xi32, #tpu.memory_space<smem>>) -> (i32, i32) {
    %c0_i32 = arith.constant 0 : i32
    %c0_i32_0 = arith.constant 0 : i32
    return %arg0, %c0_i32 : i32, i32
  }
}

</mosaic_0001>

<sc_bundles>
// kernel: gather_offload_async_start.1
scs
__scs_entry_jumppad:
0x0: {  	(pc) =	sbr.rel $0x88, $3  }
0x1: {  	(tag) =	ssettag $0x0;
	lr =	simm.s32 $0x1  }
0x2: {  	[smem:$0x3F96] =	sst lr;
	_ =	strace $0xD0000000  }
0x3: {  	_ = 	snop  }
0x4: {  	_ = 	snop  }
0x5: {  	_ = 	snop  }
0x6: {  	_ = 	snop  }
0x7: {  	_ = 	snop  }
__scs_overlays_trampoline_lowered:
0x8: {  	[smem:$0x3FA5] =	sst s0  }
0x9: {  	[smem:$0x3FA6] =	sst s1  }
0xa: {  	[smem:$0x3FA7] =	sst s2  }
0xb: {  	[smem:$0x3FA8] =	sst s3  }
0xc: {  	[smem:$0x3FA9] =	sst s4  }
0xd: {  	[smem:$0x3FAA] =	sst s5  }
0xe: {  	[smem:$0x3FAB] =	sst s6  }
0xf: {  	[smem:$0x3FAC] =	sst s7  }
0x10: {  	[smem:$0x3FAD] =	sst s8  }
0x11: {  	[smem:$0x3FAE] =	sst s9;
	s0 =	simm.s32 @!p0 $0x0  }
0x12: {  	s1 =	sld [smem:$0x3F94];
	s0 =	simm.s32 @p0 $0x1  }
0x13: {  	[smem:$0x3FAF] =	sst s0;
	s0 =	simm.s32 @!p1 $0x0  }
0x14: {  	s2 =	sld [smem:$0x3F93];
	s0 =	simm.s32 @p1 $0x1  }
0x15: {  	[smem:$0x3FB0] =	sst s0;
	s0 =	simm.s32 @!p2 $0x0  }
0x16: {  	s3 =	sld [smem:$0x3FDB];
	s0 =	simm.s32 @p2 $0x1  }
0x17: {  	s4 =	simm.s32 $0x1BF5;
	[smem:$0x3FB2] =	sst s0  }
0x18: {  	s0 =	sld [smem:$0x3F95];
	_ =	swait.ge [sflag:s4], $0x0  }
0x19: {  	s7 =	sld [smem:$0x3F96]  }
0x1a: {  	s8 =	sadd.s32 $0xFFFFE003, lr  }
0x1b: {  	s9 =	sadd.s32 $0xFFFFFEF7, lr;
	s5 =	simm.s32 $0xFFFFFFFF;
	p2 =	slt.u32 s8, $0xFFFFF086  }
0x1c: {  	p1 =	slt.u32 s9, $0xF7A;
	s5 =	simm.s32 @!p2 $0x0  }
0x1d: {  	s5 =	simm.s32 @p1 $0x1;
	p0 =	seq.s32 s7, s2  }
0x1e: {  	s7 =	smul.u32 @!p0 $0xF7A, s2;
	p2 =	seq.s32 @!p0 s5, $0x0  }
0x1f: {  	s9 =	smul.u32 $0xF7A, s1;
	s8 =	simm.s32 @!p0 $0x1BF5;
	p2 =	por !p2, p0  }
0x20: {  	[sflag:s8] =	ssyncset.s32 @!p0 $0xFFFFF086;
	s6 =	sadd.s32 @!p0 s3, s7;
	s7 =	simm.s32 @!p0 $0x108  }
0x21: {  	s3 =	sadd.s32 s3, s9;
	s6 =	sadd.s32 @!p0 $0x88, s6;
	s7 =	simm.s32 @p2 $0x1082  }
0x22: {  	[simem:s7], [sflag:s8] =	dma.local @!p0 [hbm:s6], $0xF7A  }
0x23: {  	s9 =	sor.u32 $0xD0000000, s2;
	s6 =	simm.s32 $0x108;
	_ =	swait.ge @!p0 [sflag:s8], $0x0  }
0x24: {  	s3 =	sadd.s32 $0x88, s3;
	s6 =	simm.s32 @!p1 $0x1082;
	[sflag:s4] =	ssyncset.s32 $0xFFFFF086  }
0x25: {  	[simem:s6], [sflag:s4] =	dma.local [hbm:s3], $0xF7A  }
0x26: {  	[smem:$0x3F96] =	sst s1;
	(tag) =	ssettag s2;
	_ =	strace s9  }
0x27: {  	s1 =	sld [smem:$0x3FA6]  }
0x28: {  	s2 =	sld [smem:$0x3FA7]  }
0x29: {  	s4 =	sld [smem:$0x3FA9]  }
0x2a: {  	p0 =	seq.s32 s5, $0x0;
	s5 =	sld [smem:$0x3FAA]  }
0x2b: {  	s6 =	sld [smem:$0x3FAB]  }
0x2c: {  	s7 =	sld [smem:$0x3FAC]  }
0x2d: {  	s3 =	simm.s32 $0x108;
	s8 =	sld [smem:$0x3FAD]  }
0x2e: {  	s3 =	simm.s32 @!p0 $0x1082;
	s9 =	sld [smem:$0x3FAE]  }
0x2f: {  	lr =	sadd.s32 s0, s3;
	s0 =	sld [smem:$0x3FA5]  }
0x30: {  	s3 =	sld [smem:$0x3FA8]  }
0x31: {  	[smem:$0x3FB1] =	sst s10  }
0x32: {  	s10 =	sld [smem:$0x3FAF];
	_ =	sdelay $0x3  }
0x33: {  	p0 =	seq.s32 s10, $0x1;
	s10 =	sld [smem:$0x3FB1];
	_ =	sdelay $0x3  }
0x34: {  	[smem:$0x3FB1] =	sst s10  }
0x35: {  	s10 =	sld [smem:$0x3FB0];
	_ =	sdelay $0x3  }
0x36: {  	p1 =	seq.s32 s10, $0x1;
	s10 =	sld [smem:$0x3FB1];
	_ =	sdelay $0x3  }
0x37: {  	[smem:$0x3FB1] =	sst s10  }
0x38: {  	s10 =	sld [smem:$0x3FB2]  }
0x39: {  	_ = 	snop;
	(pc) =	sbr.ind lr, $3  }
0x3a: {  	_ = 	snop  }
0x3b: {  	_ = 	snop  }
0x3c: {  	p2 =	seq.s32 s10, $0x1;
	s10 =	sld [smem:$0x3FB1]  }
0x3d: {  	_ =	shalt  }
0x3e: {  	_ =	shalt  }
0x3f: {  	_ =	shalt  }
0x40: {  	_ =	shalt  }
0x41: {  	_ =	shalt  }
0x42: {  	_ =	shalt  }
0x43: {  	_ =	shalt  }
0x44: {  	_ =	shalt  }
0x45: {  	_ =	shalt  }
0x46: {  	_ =	shalt  }
0x47: {  	_ =	shalt  }
0x48: {  	_ =	shalt  }
0x49: {  	_ =	shalt  }
0x4a: {  	_ =	shalt  }
0x4b: {  	_ =	shalt  }
0x4c: {  	_ =	shalt  }
0x4d: {  	_ =	shalt  }
0x4e: {  	_ =	shalt  }
0x4f: {  	_ =	shalt  }
0x50: {  	_ =	shalt  }
0x51: {  	_ =	shalt  }
0x52: {  	_ =	shalt  }
0x53: {  	_ =	shalt  }
0x54: {  	_ =	shalt  }
0x55: {  	_ =	shalt  }
0x56: {  	_ =	shalt  }
0x57: {  	_ =	shalt  }
0x58: {  	_ =	shalt  }
0x59: {  	_ =	shalt  }
0x5a: {  	_ =	shalt  }
0x5b: {  	_ =	shalt  }
0x5c: {  	_ =	shalt  }
0x5d: {  	_ =	shalt  }
0x5e: {  	_ =	shalt  }
0x5f: {  	_ =	shalt  }
0x60: {  	_ =	shalt  }
0x61: {  	_ =	shalt  }
0x62: {  	_ =	shalt  }
0x63: {  	_ =	shalt  }
0x64: {  	_ =	shalt  }
0x65: {  	_ =	shalt  }
0x66: {  	_ =	shalt  }
0x67: {  	_ =	shalt  }
0x68: {  	_ =	shalt  }
0x69: {  	_ =	shalt  }
0x6a: {  	_ =	shalt  }
0x6b: {  	_ =	shalt  }
0x6c: {  	_ =	shalt  }
0x6d: {  	_ =	shalt  }
0x6e: {  	_ =	shalt  }
0x6f: {  	_ =	shalt  }
0x70: {  	_ =	shalt  }
0x71: {  	_ =	shalt  }
0x72: {  	_ =	shalt  }
0x73: {  	_ =	shalt  }
0x74: {  	_ =	shalt  }
0x75: {  	_ =	shalt  }
0x76: {  	_ =	shalt  }
0x77: {  	_ =	shalt  }
0x78: {  	_ =	shalt  }
0x79: {  	_ =	shalt  }
0x7a: {  	_ =	shalt  }
0x7b: {  	_ =	shalt  }
0x7c: {  	_ =	shalt  }
0x7d: {  	_ =	shalt  }
0x7e: {  	_ =	shalt  }
0x7f: {  	_ =	shalt  }
0x80: {  	_ =	shalt  }
0x81: {  	_ =	shalt  }
0x82: {  	_ =	shalt  }
0x83: {  	_ =	shalt  }
0x84: {  	_ =	shalt  }
0x85: {  	_ =	shalt  }
0x86: {  	_ =	shalt  }
0x87: {  	_ =	shalt  }
.Lfunc_end0:
.L_simem_size_0:
called_computation.1_lowered:
.L_overlay_start_0:
0x88: {  	s2 =	sld [smem:$0x3FD9]  }
0x89: {  	s3 =	sld [smem:$0x3FFE];
	_ =	sdelay $0x1  }
0x8a: {  	s1 =	srdreg.scid  }
0x8b: {  	s0 =	sand.u32 $0x1, s1  }
0x8c: {  	s14 =	sshll.u32 s0, $0xA;
	s2 =	sadd.s32 s3, s2  }
0x8d: {  	s2 =	sadd.s32 s2, s14  }
0x8e: {  	[smem:$0x3FBD] =	sst s2  }
0x8f: {  	_ = 	snop  }
0x90: {  	s2 =	sld [smem:$0x3FD0];
	_ =	sdelay $0x2  }
0x91: {  	s15 =	simm.s32 $0xA;
	s4 =	simm.s32 $0x10  }
0x92: {  	[smem:s4], [sflag:s15] =	dma.local [hbm:s2], $0x1  }
0x93: {  	_ =	swait.eq [sflag:s15], $0x1  }
0x94: {  	[sflag:s15] =	ssyncset.done $0x0  }
0x95: {  	[sflag:s15] =	ssyncadd.s32 $0xFFFFFFFF  }
0x96: {  	s16 =	sld [smem:$0x10];
	(tm) =	ssettm $0x1  }
0x97: {  	s17 =	sld [smem:$0x3FFB];
	_ =	sdelay $0x3  }
0x98: {  	_ =	strace s17  }
0x99: {  	s3 =	sld [smem:$0x3FFC];
	_ =	sdelay $0x3  }
0x9a: {  	_ =	strace s3  }
0x9b: {  	s3 =	sld [smem:$0x3FFD];
	_ =	sdelay $0x3  }
0x9c: {  	_ =	strace s3  }
0x9d: {  	_ =	strace $0x8FFFFFFF  }
0x9e: {  	s18 =	sld [smem:$0x3FDB];
	_ =	sdelay $0x1  }
0x9f: {  	s19 =	simm.s32 $_scs_section_size  }
0xa0: {  	s5 =	simm.s32 $_size__tile_overlayer_lowered;
	s6 =	simm.s32 $_tile_overlayer_lowered  }
0xa1: {  	s22 =	simm.s32 $0x1BFF;
	s21 =	sshll.u32 s6, $0x1;
	s3 =	sadd.s32 s19, s18  }
0xa2: {  	s7 =	simm.s32 $0x0;
	s20 =	sshll.u32 s5, $0x1;
	s5 =	sadd.s32 s21, s3  }
0xa3: {  	[timem:s7], [sflag:s22] =	dma.local [hbm:s5], s20  }
0xa4: {  	_ =	swait.ge [sflag:s22], s20  }
0xa5: {  	s4 =	ssub.s32 $0x0, s20;
	[sflag:s22] =	ssyncset.done $0x0  }
0xa6: {  	[sflag:s22] =	ssyncadd.s32 s4;
	_ =	sdelay $0x1  }
0xa7: {  	s23 =	simm.s32 $0x1B8B  }
0xa8: {  	_ =	swait.ge [sflag:s23], $0x1  }
0xa9: {  	[sflag:s23] =	ssyncset.done $0x0  }
0xaa: {  	s25 =	simm.s32 $0x1B8E;
	s24 =	sld [smem:$0x3FFE];
	[sflag:s23] =	ssyncadd.s32 $0xFFFFFFFF  }
0xab: {  	s26 =	simm.s32 $execute0_lowered;
	[smem:$0x3FD2] =	sst s25  }
0xac: {  	s5 =	sshll.u32 s26, $0x1;
	_ =	strace $0x80000049;
	[dreg:$0x1] =	wrdreg $0xFFFFFFFF  }
0xad: {  	s28 =	simm.s32 $_size_execute0_lowered;
	s3 =	sadd.s32 s3, s5;
	[dreg:$0x0] =	wrdreg $0x0  }
0xae: {  	s5 =	sshll.u32 s28, $0x1;
	[dreg:$0x2] =	wrdreg s3  }
0xaf: {  	[dreg:$0x3] =	wrdreg s5  }
0xb0: {  	[dreg:$0x4] =	wrdreg $0xC0  }
0xb1: {  	_ =	task [dreg:s7], $0x5FFFF  }
0xb2: {  	[dreg:$0x1] =	wrdreg $0xFFFFFFFF  }
0xb3: {  	[dreg:$0x0] =	wrdreg $0x60  }
0xb4: {  	[dreg:$0x2] =	wrdreg s24  }
0xb5: {  	[dreg:$0x3] =	wrdreg s16  }
0xb6: {  	[dreg:$0x4] =	wrdreg $0x9  }
0xb7: {  	_ =	task.clear_ibuf [dreg:s7], $0x5FFFF;
	_ =	strace $0x90000049  }
0xb8: {  	s29 =	simm.s32 $0x9;
	_ =	strace $0x8000004B  }
0xb9: {  	_ =	swait.ge [sflag:s29], $0x1  }
0xba: {  	[sflag:s29] =	ssyncadd.s32 $0xFFFFFFFF  }
0xbb: {  	_ =	strace $0x9000004B  }
0xbc: {  	_ =	sfence  }
0xbd: {  	s30 =	sld [smem:$0x0];
	_ =	sdelay $0x2  }
0xbe: {  	s31 =	sshll.u32 s1, $0xD;
	s1 =	sshrl.u32 s1, $0x2  }
0xbf: {  	s3 =	sand.u32 $0x4000, s31;
	s1 =	sadd.s32 s1, s30  }
0xc0: {  	s0 =	sor.u32 s3, s0;
	s1 =	sshll.u32 s1, $0x11  }
0xc1: {  	s0 =	sor.u32 s1, s0  }
0xc2: {  	s0 =	sadd.s32 $0x8F2B, s0  }
0xc3: {  	[sflag:s0] =	ssyncadd.remote.s32 $0x1  }
0xc4: {  	_ =	sfence.sel $0xFFFF  }
0xc5: {  	[dreg:$0x0] =	wrdreg $0xFFFFFFFF;
	(pc) =	sbr.abs _section_cstart, $3  }
0xc6: {  	[dreg:$0x1] =	wrdreg $0xFFFFFFFF  }
0xc7: {  	_ =	task.clear_ibuf [dreg:s7], $0x2FFFF;
	_ =	strace $0x9FFFFFFF  }
0xc8: {  	(tm) =	ssettm $0x7FFFFFFF  }
0xc9: {  	_ =	shalt  }
tec
execute0_lowered:
.L_overlay_start_1:
0x0: {  	(tag) =	ssettag $0x1  }
0x1: {  	s1 =	srdreg.scid;
	s5 =	rddreg [dreg:$0x0]  }
0x2: {  	s0 =	stileid.u32;
	s2 =	rddreg [dreg:$0x1];
	s6 =	simm.s32 $0x1  }
0x3: {  	s9 =	simm.s32 $0x1;
	s10 =	simm.s32 $0x3;
	s1 =	sshll.u32 s1, $0x6  }
0x4: {  	s13 =	simm.s32 $0x0;
	s3 =	sshll.u32 s0, $0x7;
	s4 =	sand.u32 $0x40, s1  }
0x5: {  	s12 =	simm.s32 $0x0;
	s1 =	rddreg [dreg:$0x2];
	s3 =	sor.u32 s3, s4  }
0x6: {  	_ =	strace $0x8000004A;
	s4 =	sadd.s32 $0x2200, s5;
	s8 =	ssub.s32 $0x1000, s3  }
.Ltmp0:
0x7: {  	s5 =	sadd.s32 $0x2000, s5;
	s7 =	sand.u32 $0x7C0, s8;
	(pc) =	sbr.rel .LBB2_1-.Ltmp0, $4  }
0x8: {  	[sflag:s6] =	ssyncpa.u1 $0x0;
	s11 =	smov.u32 s3;
	p0 =	sne.s32 s7, $0x0  }
0x9: {  	s8 =	sshrl.u32 s8, $0xB;
	s7 =	simm.s32 $0x2;
	s9 =	simm.s32 @!p0 $0x0  }
0xa: {  	[sflag:s7] =	ssyncpa.u1 $0x0;
	p0 =	por $0x0, $0x0;
	s8 =	sadd.s32 s9, s8  }
0xb: {  	vm0 =	vmmov $0xffff;
	[sflag:s10] =	ssyncpa.u1 $0x0;
	s10 =	simm.s32 $0x0;
	s9 =	sadd.s32 $0x1, s8  }
.LBB2_4:
0xc: {  	v2 =	vnsel vm1, $0x0, v2  }
0xd: {  	vm1 =	vgt.s32 v0, $0x0;
	v2 =	vmin.u32 v2, $0xFFF  }
0xe: {  	v0 =	vnsel vm1, $0x0, v0  }
0xf: {  	v0 =	vmin.u32 v0, $0xFFF  }
0x10: {  	[tilespmem:s15], [sflag:$0x1] =	stream.indirect_vreg.gather [hbm4b:s4+s10], $0x1, v1, vm0, $0x4038;
	[tilespmem:$0x100] =	vst v63  }
0x11: {  	(ifvalue) =	ssetifvalue $0x7FFFFFFF  }
0x12: {  	[tilespmem:s16], [sflag:$0x1] =	stream.indirect_vreg.gather [hbm4b:s4+s10], $0x1, v2, vm0, $0x4038;
	[tilespmem:$0x100] =	vst v63  }
0x13: {  	s29 =	sadd.s32 $0x10, s16;
	(ifvalue) =	ssetifvalue $0x7FFFFFFF  }
0x14: {  	[tilespmem:s29], [sflag:$0x1] =	stream.indirect_vreg.gather [hbm4b:s4+s10], $0x1, v0, vm0, $0x4038;
	[tilespmem:$0x100] =	vst v63  }
0x15: {  	_ =	swait.ge [sflag:s6], $0x40  }
0x16: {  	s30 =	sshrl.u32 s13, $0x3;
	[sflag:s6] =	ssyncset.done $0x0  }
0x17: {  	s31 =	sand.u32 $0x7, s13;
	s15 =	sadd.s32 s2, s30;
	[sflag:s6] =	ssyncadd.s32 $0xFFFFFFC0  }
0x18: {  	[hbm4b:s15+s31] =	stream.linear.scatter [tilespmem:s14], [sflag:$0x3], $0x40, $0x38;
	[tilespmem:$0x100] =	vst v63  }
.LBB2_5:
0x19: {  	s15 =	sadd.s32 $0x800, s11  }
0x1a: {  	p2 =	sgt.s32 s15, $0xFFF  }
0x1b: {  	s15 =	smov.u32 @p2 s3;
	p2 =	sne.s32 s12, s9  }
.Ltmp1:
0x1c: {  	p1 =	slt.u32 s12, $0x2;
	(pc) =	sbr.rel @!p2 .LBB2_6-.Ltmp1, $4  }
0x1d: {  	s14 =	simm.s32 @!p1 $0x3  }
0x1e: {  	s16 =	sadd.s32 $0x1, s12;
	_ =	swait.ge @!p1 [sflag:s14], $0x40  }
0x1f: {  	s13 =	smov.u32 s11;
	p0 =	por !p0, !p0;
	[sflag:s14] =	ssyncset.done @!p1 $0x0  }
0x20: {  	s12 =	smov.u32 s16;
	s11 =	smov.u32 s15;
	[sflag:s14] =	ssyncadd.s32 @!p1 $0xFFFFFFC0  }
.LBB2_1:
0x21: {  	p1 =	sge.u32 s12, s8  }
0x22: {  	s14 =	sxor.u32 @!p1 $0xFFFFFFFF, s12  }
0x23: {  	s31 =	sadd.s32 $0xFFFFFFFF, s12;
	s15 =	sshrl.u32 @!p1 s11, $0x3;
	s14 =	sshll.u32 @!p1 s14, $0x6  }
0x24: {  	s16 =	sand.u32 @!p1 $0x7, s11;
	s15 =	sadd.s32 @!p1 s5, s15;
	s14 =	sand.u32 @!p1 $0x40, s14  }
0x25: {  	[tilespmem:s14], [sflag:$0x2] =	stream.linear.gather @!p1 [hbm4b:s15+s16], $0x40, $0x38;
	[tilespmem:$0x100] =	vst v63  }
0x26: {  	p1 =	sge.u32 s31, s8  }
.Ltmp2:
0x27: {  	_ = 	snop;
	(pc) =	sbr.rel @p1 .LBB2_5-.Ltmp2, $1  }
0x28: {  	_ =	sdelay $0x3  }
0x29: {  	s14 =	simm.s32 $0x1  }
0x2a: {  	_ =	swait.ge [sflag:s7], $0x40;
	s14 =	simm.s32 @!p0 $0x0  }
0x2b: {  	[sflag:s7] =	ssyncset.done $0x0;
	s14 =	sshll.u32 s14, $0x6  }
0x2c: {  	[sflag:s7] =	ssyncadd.s32 $0xFFFFFFC0;
	(ifvalue) =	ssetifvalue $0x7FFFFFFF;
	v0 =	vld.msk [tilespmem:s14+$0x0 ss:$0x1], $0xffff;
	_ =	sdelay $0x4  }
0x2d: {  	s15 =	sadd.s32 $0x10, s14;
	vm1 =	vgt.s32 v0, $0x0  }
0x2e: {  	v2 =	vld.msk [tilespmem:s15+$0x0 ss:$0x1], $0xffff;
	v1 =	vnsel vm1, $0x0, v0  }
0x2f: {  	v1 =	vmin.u32 v1, $0xFFF;
	_ =	sdelay $0x1  }
0x30: {  	s16 =	sshll.u32 s12, $0x6;
	s18 =	simm.s32 $0x20  }
0x31: {  	s16 =	sand.u32 $0x40, s16;
	s17 =	sadd.s32 $0x10, s15;
	s15 =	sor.u32 $0x80, s14  }
0x32: {  	s14 =	sor.u32 $0x80, s16;
	s16 =	sadd.s32 $0x10, s15;
	v0 =	vld.msk [tilespmem:s17+$0x0 ss:$0x1], $0xffff;
	vm1 =	vgt.s32 v2, $0x0;
	(ifvalue) =	ssetifvalue $0x7FFFFFFF  }
.LBB2_3:
0x33: {  	[tilespmem:s15], [sflag:$0x1] =	stream.indirect_vreg.gather [hbm4b:s4+s10], $0x1, v1, vm0, $0x4038;
	[tilespmem:$0x100] =	vst v63  }
0x34: {  	s18 =	sadd.s32 $0x10, s18  }
0x35: {  	v2 =	vnsel vm1, $0x0, v2;
	p1 =	slt.u32 s18, $0x30  }
.Ltmp3:
0x36: {  	s15 =	smov.u32 s16;
	v1 =	vmin.u32 v2, $0xFFF;
	(pc) =	sbr.rel @p1 .LBB2_3-.Ltmp3, $3  }
0x37: {  	_ =	sdelay $0x1  }
0x38: {  	s17 =	sadd.s32 $0x10, s17  }
0x39: {  	vm1 =	vgt.s32 v0, $0x0;
	s16 =	sadd.s32 $0x10, s16;
	v2 =	vmov v0;
	(ifvalue) =	ssetifvalue $0x7FFFFFFF;
	v0 =	vld.msk [tilespmem:s17+$0x0 ss:$0x1], $0xffff  }
.Ltmp4:
0x3a: {  	_ = 	snop;
	(pc) =	sbr.rel .LBB2_4-.Ltmp4, $1  }
0x3b: {  	_ =	sdelay $0x3  }
.LBB2_6:
0x3c: {  	_ =	sfence.sel $0x180000  }
0x3d: {  	s2 =	simm.s32 $0x2;
	[bflag:$0x0] =	sbarrier.arrive $0xFFFF  }
0x3e: {  	s30 =	simm.s32 $0x3;
	[sflag:s2] =	ssyncpa.u1 $0x1  }
0x3f: {  	s31 =	simm.s32 $0x1;
	[sflag:s30] =	ssyncpa.u1 $0x1  }
0x40: {  	[sflag:s31] =	ssyncpa.u1 $0x1  }
0x41: {  	p0 =	sne.s32 s0, $0x0;
	_ =	strace $0x9000004A  }
0x42: {  	s0 =	sadd.s32 @!p0 $0x100000, s1;
	[bflag:$0x2] =	sbarrier.arrive $0xFFFF  }
0x43: {  	[sflag:s0] =	ssyncadd.tile.s32 @!p0 $0x1;
	_ =	shalt  }
.Lfunc_end2:
_tile_overlayer_lowered:
.L_overlay_start_2:
0x44: {  	(tag) =	ssettag $0x2  }
0x45: {  	s0 =	rddreg [dreg:$0x0];
	s2 =	stileid.u32  }
0x46: {  	s1 =	rddreg [dreg:$0x1];
	p0 =	sne.s32 s2, $0x0  }
0x47: {  	s3 =	rddreg [dreg:$0x2];
	[bflag:$0x3] =	sbarrier.arrive $0xFFFF;
	s2 =	simm.s32 @!p0 $0x1C01  }
0x48: {  	[timem:s3], [sflag:s2] =	dma.local @!p0 [hbm:s0], s1  }
0x49: {  	s0 =	simm.s32 @!p0 $0x1  }
0x4a: {  	_ =	swait.ge @!p0 [sflag:s0], s1  }
0x4b: {  	s1 =	ssub.s32 @!p0 $0x0, s1;
	[sflag:s0] =	ssyncset.done @!p0 $0x0  }
0x4c: {  	[sflag:s0] =	ssyncadd.s32 @!p0 s1  }
0x4d: {  	[bflag:$0x3] =	sbarrier.arrive $0xFFFF  }
0x4e: {  	_ =	shalt  }

// kernel: gather_offload_async_start
scs
__scs_entry_jumppad:
0x0: {  	(pc) =	sbr.rel $0x88, $3  }
0x1: {  	(tag) =	ssettag $0x0;
	lr =	simm.s32 $0x1  }
0x2: {  	[smem:$0x3F96] =	sst lr;
	_ =	strace $0xD0000000  }
0x3: {  	_ = 	snop  }
0x4: {  	_ = 	snop  }
0x5: {  	_ = 	snop  }
0x6: {  	_ = 	snop  }
0x7: {  	_ = 	snop  }
__scs_overlays_trampoline_lowered:
0x8: {  	[smem:$0x3FA5] =	sst s0  }
0x9: {  	[smem:$0x3FA6] =	sst s1  }
0xa: {  	[smem:$0x3FA7] =	sst s2  }
0xb: {  	[smem:$0x3FA8] =	sst s3  }
0xc: {  	[smem:$0x3FA9] =	sst s4  }
0xd: {  	[smem:$0x3FAA] =	sst s5  }
0xe: {  	[smem:$0x3FAB] =	sst s6  }
0xf: {  	[smem:$0x3FAC] =	sst s7  }
0x10: {  	[smem:$0x3FAD] =	sst s8  }
0x11: {  	[smem:$0x3FAE] =	sst s9;
	s0 =	simm.s32 @!p0 $0x0  }
0x12: {  	s1 =	sld [smem:$0x3F94];
	s0 =	simm.s32 @p0 $0x1  }
0x13: {  	[smem:$0x3FAF] =	sst s0;
	s0 =	simm.s32 @!p1 $0x0  }
0x14: {  	s2 =	sld [smem:$0x3F93];
	s0 =	simm.s32 @p1 $0x1  }
0x15: {  	[smem:$0x3FB0] =	sst s0;
	s0 =	simm.s32 @!p2 $0x0  }
0x16: {  	s3 =	sld [smem:$0x3FDB];
	s0 =	simm.s32 @p2 $0x1  }
0x17: {  	s4 =	simm.s32 $0x1BF5;
	[smem:$0x3FB2] =	sst s0  }
0x18: {  	s0 =	sld [smem:$0x3F95];
	_ =	swait.ge [sflag:s4], $0x0  }
0x19: {  	s7 =	sld [smem:$0x3F96]  }
0x1a: {  	s8 =	sadd.s32 $0xFFFFE003, lr  }
0x1b: {  	s9 =	sadd.s32 $0xFFFFFEF7, lr;
	s5 =	simm.s32 $0xFFFFFFFF;
	p2 =	slt.u32 s8, $0xFFFFF086  }
0x1c: {  	p1 =	slt.u32 s9, $0xF7A;
	s5 =	simm.s32 @!p2 $0x0  }
0x1d: {  	s5 =	simm.s32 @p1 $0x1;
	p0 =	seq.s32 s7, s2  }
0x1e: {  	s7 =	smul.u32 @!p0 $0xF7A, s2;
	p2 =	seq.s32 @!p0 s5, $0x0  }
0x1f: {  	s9 =	smul.u32 $0xF7A, s1;
	s8 =	simm.s32 @!p0 $0x1BF5;
	p2 =	por !p2, p0  }
0x20: {  	[sflag:s8] =	ssyncset.s32 @!p0 $0xFFFFF086;
	s6 =	sadd.s32 @!p0 s3, s7;
	s7 =	simm.s32 @!p0 $0x108  }
0x21: {  	s3 =	sadd.s32 s3, s9;
	s6 =	sadd.s32 @!p0 $0x88, s6;
	s7 =	simm.s32 @p2 $0x1082  }
0x22: {  	[simem:s7], [sflag:s8] =	dma.local @!p0 [hbm:s6], $0xF7A  }
0x23: {  	s9 =	sor.u32 $0xD0000000, s2;
	s6 =	simm.s32 $0x108;
	_ =	swait.ge @!p0 [sflag:s8], $0x0  }
0x24: {  	s3 =	sadd.s32 $0x88, s3;
	s6 =	simm.s32 @!p1 $0x1082;
	[sflag:s4] =	ssyncset.s32 $0xFFFFF086  }
0x25: {  	[simem:s6], [sflag:s4] =	dma.local [hbm:s3], $0xF7A  }
0x26: {  	[smem:$0x3F96] =	sst s1;
	(tag) =	ssettag s2;
	_ =	strace s9  }
0x27: {  	s1 =	sld [smem:$0x3FA6]  }
0x28: {  	s2 =	sld [smem:$0x3FA7]  }
0x29: {  	s4 =	sld [smem:$0x3FA9]  }
0x2a: {  	p0 =	seq.s32 s5, $0x0;
	s5 =	sld [smem:$0x3FAA]  }
0x2b: {  	s6 =	sld [smem:$0x3FAB]  }
0x2c: {  	s7 =	sld [smem:$0x3FAC]  }
0x2d: {  	s3 =	simm.s32 $0x108;
	s8 =	sld [smem:$0x3FAD]  }
0x2e: {  	s3 =	simm.s32 @!p0 $0x1082;
	s9 =	sld [smem:$0x3FAE]  }
0x2f: {  	lr =	sadd.s32 s0, s3;
	s0 =	sld [smem:$0x3FA5]  }
0x30: {  	s3 =	sld [smem:$0x3FA8]  }
0x31: {  	[smem:$0x3FB1] =	sst s10  }
0x32: {  	s10 =	sld [smem:$0x3FAF];
	_ =	sdelay $0x3  }
0x33: {  	p0 =	seq.s32 s10, $0x1;
	s10 =	sld [smem:$0x3FB1];
	_ =	sdelay $0x3  }
0x34: {  	[smem:$0x3FB1] =	sst s10  }
0x35: {  	s10 =	sld [smem:$0x3FB0];
	_ =	sdelay $0x3  }
0x36: {  	p1 =	seq.s32 s10, $0x1;
	s10 =	sld [smem:$0x3FB1];
	_ =	sdelay $0x3  }
0x37: {  	[smem:$0x3FB1] =	sst s10  }
0x38: {  	s10 =	sld [smem:$0x3FB2]  }
0x39: {  	_ = 	snop;
	(pc) =	sbr.ind lr, $3  }
0x3a: {  	_ = 	snop  }
0x3b: {  	_ = 	snop  }
0x3c: {  	p2 =	seq.s32 s10, $0x1;
	s10 =	sld [smem:$0x3FB1]  }
0x3d: {  	_ =	shalt  }
0x3e: {  	_ =	shalt  }
0x3f: {  	_ =	shalt  }
0x40: {  	_ =	shalt  }
0x41: {  	_ =	shalt  }
0x42: {  	_ =	shalt  }
0x43: {  	_ =	shalt  }
0x44: {  	_ =	shalt  }
0x45: {  	_ =	shalt  }
0x46: {  	_ =	shalt  }
0x47: {  	_ =	shalt  }
0x48: {  	_ =	shalt  }
0x49: {  	_ =	shalt  }
0x4a: {  	_ =	shalt  }
0x4b: {  	_ =	shalt  }
0x4c: {  	_ =	shalt  }
0x4d: {  	_ =	shalt  }
0x4e: {  	_ =	shalt  }
0x4f: {  	_ =	shalt  }
0x50: {  	_ =	shalt  }
0x51: {  	_ =	shalt  }
0x52: {  	_ =	shalt  }
0x53: {  	_ =	shalt  }
0x54: {  	_ =	shalt  }
0x55: {  	_ =	shalt  }
0x56: {  	_ =	shalt  }
0x57: {  	_ =	shalt  }
0x58: {  	_ =	shalt  }
0x59: {  	_ =	shalt  }
0x5a: {  	_ =	shalt  }
0x5b: {  	_ =	shalt  }
0x5c: {  	_ =	shalt  }
0x5d: {  	_ =	shalt  }
0x5e: {  	_ =	shalt  }
0x5f: {  	_ =	shalt  }
0x60: {  	_ =	shalt  }
0x61: {  	_ =	shalt  }
0x62: {  	_ =	shalt  }
0x63: {  	_ =	shalt  }
0x64: {  	_ =	shalt  }
0x65: {  	_ =	shalt  }
0x66: {  	_ =	shalt  }
0x67: {  	_ =	shalt  }
0x68: {  	_ =	shalt  }
0x69: {  	_ =	shalt  }
0x6a: {  	_ =	shalt  }
0x6b: {  	_ =	shalt  }
0x6c: {  	_ =	shalt  }
0x6d: {  	_ =	shalt  }
0x6e: {  	_ =	shalt  }
0x6f: {  	_ =	shalt  }
0x70: {  	_ =	shalt  }
0x71: {  	_ =	shalt  }
0x72: {  	_ =	shalt  }
0x73: {  	_ =	shalt  }
0x74: {  	_ =	shalt  }
0x75: {  	_ =	shalt  }
0x76: {  	_ =	shalt  }
0x77: {  	_ =	shalt  }
0x78: {  	_ =	shalt  }
0x79: {  	_ =	shalt  }
0x7a: {  	_ =	shalt  }
0x7b: {  	_ =	shalt  }
0x7c: {  	_ =	shalt  }
0x7d: {  	_ =	shalt  }
0x7e: {  	_ =	shalt  }
0x7f: {  	_ =	shalt  }
0x80: {  	_ =	shalt  }
0x81: {  	_ =	shalt  }
0x82: {  	_ =	shalt  }
0x83: {  	_ =	shalt  }
0x84: {  	_ =	shalt  }
0x85: {  	_ =	shalt  }
0x86: {  	_ =	shalt  }
0x87: {  	_ =	shalt  }
.Lfunc_end0:
.L_simem_size_0:
called_computation_lowered:
.L_overlay_start_0:
0x88: {  	s2 =	sld [smem:$0x3FD9]  }
0x89: {  	s3 =	sld [smem:$0x3FFE];
	_ =	sdelay $0x1  }
0x8a: {  	s1 =	srdreg.scid  }
0x8b: {  	s0 =	sand.u32 $0x1, s1  }
0x8c: {  	s14 =	sshll.u32 s0, $0xA;
	s2 =	sadd.s32 s3, s2  }
0x8d: {  	s2 =	sadd.s32 s2, s14  }
0x8e: {  	[smem:$0x3FBD] =	sst s2  }
0x8f: {  	_ = 	snop  }
0x90: {  	s2 =	sld [smem:$0x3FD0];
	_ =	sdelay $0x2  }
0x91: {  	s15 =	simm.s32 $0xA;
	s4 =	simm.s32 $0x10  }
0x92: {  	[smem:s4], [sflag:s15] =	dma.local [hbm:s2], $0x1  }
0x93: {  	_ =	swait.eq [sflag:s15], $0x1  }
0x94: {  	[sflag:s15] =	ssyncset.done $0x0  }
0x95: {  	[sflag:s15] =	ssyncadd.s32 $0xFFFFFFFF  }
0x96: {  	s16 =	sld [smem:$0x10];
	(tm) =	ssettm $0x1  }
0x97: {  	s17 =	sld [smem:$0x3FFB];
	_ =	sdelay $0x3  }
0x98: {  	_ =	strace s17  }
0x99: {  	s3 =	sld [smem:$0x3FFC];
	_ =	sdelay $0x3  }
0x9a: {  	_ =	strace s3  }
0x9b: {  	s3 =	sld [smem:$0x3FFD];
	_ =	sdelay $0x3  }
0x9c: {  	_ =	strace s3  }
0x9d: {  	_ =	strace $0x8FFFFFFF  }
0x9e: {  	s18 =	sld [smem:$0x3FDB];
	_ =	sdelay $0x1  }
0x9f: {  	s19 =	simm.s32 $_scs_section_size  }
0xa0: {  	s5 =	simm.s32 $_size__tile_overlayer_lowered;
	s6 =	simm.s32 $_tile_overlayer_lowered  }
0xa1: {  	s22 =	simm.s32 $0x1BFF;
	s21 =	sshll.u32 s6, $0x1;
	s3 =	sadd.s32 s19, s18  }
0xa2: {  	s7 =	simm.s32 $0x0;
	s20 =	sshll.u32 s5, $0x1;
	s5 =	sadd.s32 s21, s3  }
0xa3: {  	[timem:s7], [sflag:s22] =	dma.local [hbm:s5], s20  }
0xa4: {  	_ =	swait.ge [sflag:s22], s20  }
0xa5: {  	s4 =	ssub.s32 $0x0, s20;
	[sflag:s22] =	ssyncset.done $0x0  }
0xa6: {  	[sflag:s22] =	ssyncadd.s32 s4;
	_ =	sdelay $0x1  }
0xa7: {  	s23 =	simm.s32 $0x1B8B  }
0xa8: {  	_ =	swait.ge [sflag:s23], $0x1  }
0xa9: {  	[sflag:s23] =	ssyncset.done $0x0  }
0xaa: {  	s25 =	simm.s32 $0x1B8E;
	s24 =	sld [smem:$0x3FFE];
	[sflag:s23] =	ssyncadd.s32 $0xFFFFFFFF  }
0xab: {  	s26 =	simm.s32 $execute0_lowered;
	[smem:$0x3FD2] =	sst s25  }
0xac: {  	s5 =	sshll.u32 s26, $0x1;
	_ =	strace $0x80000046;
	[dreg:$0x1] =	wrdreg $0xFFFFFFFF  }
0xad: {  	s28 =	simm.s32 $_size_execute0_lowered;
	s3 =	sadd.s32 s3, s5;
	[dreg:$0x0] =	wrdreg $0x0  }
0xae: {  	s5 =	sshll.u32 s28, $0x1;
	[dreg:$0x2] =	wrdreg s3  }
0xaf: {  	[dreg:$0x3] =	wrdreg s5  }
0xb0: {  	[dreg:$0x4] =	wrdreg $0xC0  }
0xb1: {  	_ =	task [dreg:s7], $0x5FFFF  }
0xb2: {  	[dreg:$0x1] =	wrdreg $0xFFFFFFFF  }
0xb3: {  	[dreg:$0x0] =	wrdreg $0x60  }
0xb4: {  	[dreg:$0x2] =	wrdreg s16  }
0xb5: {  	[dreg:$0x3] =	wrdreg s24  }
0xb6: {  	[dreg:$0x4] =	wrdreg $0x9  }
0xb7: {  	_ =	task.clear_ibuf [dreg:s7], $0x5FFFF;
	_ =	strace $0x90000046  }
0xb8: {  	s29 =	simm.s32 $0x9;
	_ =	strace $0x80000048  }
0xb9: {  	_ =	swait.ge [sflag:s29], $0x1  }
0xba: {  	[sflag:s29] =	ssyncadd.s32 $0xFFFFFFFF  }
0xbb: {  	_ =	strace $0x90000048  }
0xbc: {  	_ =	sfence  }
0xbd: {  	s30 =	sld [smem:$0x0];
	_ =	sdelay $0x2  }
0xbe: {  	s31 =	sshll.u32 s1, $0xD;
	s1 =	sshrl.u32 s1, $0x2  }
0xbf: {  	s3 =	sand.u32 $0x4000, s31;
	s1 =	sadd.s32 s1, s30  }
0xc0: {  	s0 =	sor.u32 s3, s0;
	s1 =	sshll.u32 s1, $0x11  }
0xc1: {  	s0 =	sor.u32 s1, s0  }
0xc2: {  	s0 =	sadd.s32 $0x8F2B, s0  }
0xc3: {  	[sflag:s0] =	ssyncadd.remote.s32 $0x1  }
0xc4: {  	_ =	sfence.sel $0xFFFF  }
0xc5: {  	[dreg:$0x0] =	wrdreg $0xFFFFFFFF;
	(pc) =	sbr.abs _section_cstart, $3  }
0xc6: {  	[dreg:$0x1] =	wrdreg $0xFFFFFFFF  }
0xc7: {  	_ =	task.clear_ibuf [dreg:s7], $0x2FFFF;
	_ =	strace $0x9FFFFFFF  }
0xc8: {  	(tm) =	ssettm $0x7FFFFFFF  }
0xc9: {  	_ =	shalt  }
tec
execute0_lowered:
.L_overlay_start_1:
0x0: {  	(tag) =	ssettag $0x1  }
0x1: {  	s1 =	srdreg.scid;
	s2 =	rddreg [dreg:$0x0]  }
0x2: {  	s0 =	stileid.u32;
	s5 =	rddreg [dreg:$0x1];
	s6 =	simm.s32 $0x1  }
0x3: {  	s9 =	simm.s32 $0x1;
	s10 =	simm.s32 $0x3;
	s1 =	sshll.u32 s1, $0x6  }
0x4: {  	s13 =	simm.s32 $0x0;
	s3 =	sshll.u32 s0, $0x7;
	s4 =	sand.u32 $0x40, s1  }
0x5: {  	s12 =	simm.s32 $0x0;
	s1 =	rddreg [dreg:$0x2];
	s3 =	sor.u32 s3, s4  }
0x6: {  	_ =	strace $0x80000047;
	s4 =	sadd.s32 $0x2000, s5;
	s8 =	ssub.s32 $0x1000, s3  }
.Ltmp0:
0x7: {  	s5 =	sadd.s32 $0x2400, s5;
	s7 =	sand.u32 $0x7C0, s8;
	(pc) =	sbr.rel .LBB2_1-.Ltmp0, $4  }
0x8: {  	[sflag:s6] =	ssyncpa.u1 $0x0;
	s11 =	smov.u32 s3;
	p0 =	sne.s32 s7, $0x0  }
0x9: {  	s8 =	sshrl.u32 s8, $0xB;
	s7 =	simm.s32 $0x2;
	s9 =	simm.s32 @!p0 $0x0  }
0xa: {  	[sflag:s7] =	ssyncpa.u1 $0x0;
	p0 =	por $0x0, $0x0;
	s8 =	sadd.s32 s9, s8  }
0xb: {  	vm0 =	vmmov $0xffff;
	[sflag:s10] =	ssyncpa.u1 $0x0;
	s10 =	simm.s32 $0x0;
	s9 =	sadd.s32 $0x1, s8  }
.LBB2_4:
0xc: {  	v2 =	vnsel vm1, $0x0, v2  }
0xd: {  	vm1 =	vgt.s32 v0, $0x0;
	v2 =	vmin.u32 v2, $0xFFF  }
0xe: {  	v0 =	vnsel vm1, $0x0, v0  }
0xf: {  	v0 =	vmin.u32 v0, $0xFFF  }
0x10: {  	[tilespmem:s15], [sflag:$0x1] =	stream.indirect_vreg.gather [hbm4b:s2+s10], $0x1, v1, vm0, $0x4038;
	[tilespmem:$0x100] =	vst v63  }
0x11: {  	(ifvalue) =	ssetifvalue $0x7FFFFFFF  }
0x12: {  	[tilespmem:s16], [sflag:$0x1] =	stream.indirect_vreg.gather [hbm4b:s2+s10], $0x1, v2, vm0, $0x4038;
	[tilespmem:$0x100] =	vst v63  }
0x13: {  	s29 =	sadd.s32 $0x10, s16;
	(ifvalue) =	ssetifvalue $0x7FFFFFFF  }
0x14: {  	[tilespmem:s29], [sflag:$0x1] =	stream.indirect_vreg.gather [hbm4b:s2+s10], $0x1, v0, vm0, $0x4038;
	[tilespmem:$0x100] =	vst v63  }
0x15: {  	_ =	swait.ge [sflag:s6], $0x40  }
0x16: {  	s30 =	sshrl.u32 s13, $0x3;
	[sflag:s6] =	ssyncset.done $0x0  }
0x17: {  	s31 =	sand.u32 $0x7, s13;
	s15 =	sadd.s32 s5, s30;
	[sflag:s6] =	ssyncadd.s32 $0xFFFFFFC0  }
0x18: {  	[hbm4b:s15+s31] =	stream.linear.scatter [tilespmem:s14], [sflag:$0x3], $0x40, $0x38;
	[tilespmem:$0x100] =	vst v63  }
.LBB2_5:
0x19: {  	s15 =	sadd.s32 $0x800, s11  }
0x1a: {  	p2 =	sgt.s32 s15, $0xFFF  }
0x1b: {  	s15 =	smov.u32 @p2 s3;
	p2 =	sne.s32 s12, s9  }
.Ltmp1:
0x1c: {  	p1 =	slt.u32 s12, $0x2;
	(pc) =	sbr.rel @!p2 .LBB2_6-.Ltmp1, $4  }
0x1d: {  	s14 =	simm.s32 @!p1 $0x3  }
0x1e: {  	s16 =	sadd.s32 $0x1, s12;
	_ =	swait.ge @!p1 [sflag:s14], $0x40  }
0x1f: {  	s13 =	smov.u32 s11;
	p0 =	por !p0, !p0;
	[sflag:s14] =	ssyncset.done @!p1 $0x0  }
0x20: {  	s12 =	smov.u32 s16;
	s11 =	smov.u32 s15;
	[sflag:s14] =	ssyncadd.s32 @!p1 $0xFFFFFFC0  }
.LBB2_1:
0x21: {  	p1 =	sge.u32 s12, s8  }
0x22: {  	s14 =	sxor.u32 @!p1 $0xFFFFFFFF, s12  }
0x23: {  	s31 =	sadd.s32 $0xFFFFFFFF, s12;
	s15 =	sshrl.u32 @!p1 s11, $0x3;
	s14 =	sshll.u32 @!p1 s14, $0x6  }
0x24: {  	s16 =	sand.u32 @!p1 $0x7, s11;
	s15 =	sadd.s32 @!p1 s4, s15;
	s14 =	sand.u32 @!p1 $0x40, s14  }
0x25: {  	[tilespmem:s14], [sflag:$0x2] =	stream.linear.gather @!p1 [hbm4b:s15+s16], $0x40, $0x38;
	[tilespmem:$0x100] =	vst v63  }
0x26: {  	p1 =	sge.u32 s31, s8  }
.Ltmp2:
0x27: {  	_ = 	snop;
	(pc) =	sbr.rel @p1 .LBB2_5-.Ltmp2, $1  }
0x28: {  	_ =	sdelay $0x3  }
0x29: {  	s14 =	simm.s32 $0x1  }
0x2a: {  	_ =	swait.ge [sflag:s7], $0x40;
	s14 =	simm.s32 @!p0 $0x0  }
0x2b: {  	[sflag:s7] =	ssyncset.done $0x0;
	s14 =	sshll.u32 s14, $0x6  }
0x2c: {  	[sflag:s7] =	ssyncadd.s32 $0xFFFFFFC0;
	(ifvalue) =	ssetifvalue $0x7FFFFFFF;
	v0 =	vld.msk [tilespmem:s14+$0x0 ss:$0x1], $0xffff;
	_ =	sdelay $0x4  }
0x2d: {  	s15 =	sadd.s32 $0x10, s14;
	vm1 =	vgt.s32 v0, $0x0  }
0x2e: {  	v2 =	vld.msk [tilespmem:s15+$0x0 ss:$0x1], $0xffff;
	v1 =	vnsel vm1, $0x0, v0  }
0x2f: {  	v1 =	vmin.u32 v1, $0xFFF;
	_ =	sdelay $0x1  }
0x30: {  	s16 =	sshll.u32 s12, $0x6;
	s18 =	simm.s32 $0x20  }
0x31: {  	s16 =	sand.u32 $0x40, s16;
	s17 =	sadd.s32 $0x10, s15;
	s15 =	sor.u32 $0x80, s14  }
0x32: {  	s14 =	sor.u32 $0x80, s16;
	s16 =	sadd.s32 $0x10, s15;
	v0 =	vld.msk [tilespmem:s17+$0x0 ss:$0x1], $0xffff;
	vm1 =	vgt.s32 v2, $0x0;
	(ifvalue) =	ssetifvalue $0x7FFFFFFF  }
.LBB2_3:
0x33: {  	[tilespmem:s15], [sflag:$0x1] =	stream.indirect_vreg.gather [hbm4b:s2+s10], $0x1, v1, vm0, $0x4038;
	[tilespmem:$0x100] =	vst v63  }
0x34: {  	s18 =	sadd.s32 $0x10, s18  }
0x35: {  	v2 =	vnsel vm1, $0x0, v2;
	p1 =	slt.u32 s18, $0x30  }
.Ltmp3:
0x36: {  	s15 =	smov.u32 s16;
	v1 =	vmin.u32 v2, $0xFFF;
	(pc) =	sbr.rel @p1 .LBB2_3-.Ltmp3, $3  }
0x37: {  	_ =	sdelay $0x1  }
0x38: {  	s17 =	sadd.s32 $0x10, s17  }
0x39: {  	vm1 =	vgt.s32 v0, $0x0;
	s16 =	sadd.s32 $0x10, s16;
	v2 =	vmov v0;
	(ifvalue) =	ssetifvalue $0x7FFFFFFF;
	v0 =	vld.msk [tilespmem:s17+$0x0 ss:$0x1], $0xffff  }
.Ltmp4:
0x3a: {  	_ = 	snop;
	(pc) =	sbr.rel .LBB2_4-.Ltmp4, $1  }
0x3b: {  	_ =	sdelay $0x3  }
.LBB2_6:
0x3c: {  	_ =	sfence.sel $0x180000  }
0x3d: {  	s2 =	simm.s32 $0x2;
	[bflag:$0x0] =	sbarrier.arrive $0xFFFF  }
0x3e: {  	s30 =	simm.s32 $0x3;
	[sflag:s2] =	ssyncpa.u1 $0x1  }
0x3f: {  	s31 =	simm.s32 $0x1;
	[sflag:s30] =	ssyncpa.u1 $0x1  }
0x40: {  	[sflag:s31] =	ssyncpa.u1 $0x1  }
0x41: {  	p0 =	sne.s32 s0, $0x0;
	_ =	strace $0x90000047  }
0x42: {  	s0 =	sadd.s32 @!p0 $0x100000, s1;
	[bflag:$0x2] =	sbarrier.arrive $0xFFFF  }
0x43: {  	[sflag:s0] =	ssyncadd.tile.s32 @!p0 $0x1;
	_ =	shalt  }
.Lfunc_end2:
_tile_overlayer_lowered:
.L_overlay_start_2:
0x44: {  	(tag) =	ssettag $0x2  }
0x45: {  	s0 =	rddreg [dreg:$0x0];
	s2 =	stileid.u32  }
0x46: {  	s1 =	rddreg [dreg:$0x1];
	p0 =	sne.s32 s2, $0x0  }
0x47: {  	s3 =	rddreg [dreg:$0x2];
	[bflag:$0x3] =	sbarrier.arrive $0xFFFF;
	s2 =	simm.s32 @!p0 $0x1C01  }
0x48: {  	[timem:s3], [sflag:s2] =	dma.local @!p0 [hbm:s0], s1  }
0x49: {  	s0 =	simm.s32 @!p0 $0x1  }
0x4a: {  	_ =	swait.ge @!p0 [sflag:s0], s1  }
0x4b: {  	s1 =	ssub.s32 @!p0 $0x0, s1;
	[sflag:s0] =	ssyncset.done @!p0 $0x0  }
0x4c: {  	[sflag:s0] =	ssyncadd.s32 @!p0 s1  }
0x4d: {  	[bflag:$0x3] =	sbarrier.arrive $0xFFFF  }
0x4e: {  	_ =	shalt  }

</sc_bundles>
